<compile_context>
chip_gen: v7x
topology: tpu7x:2x2x1
jax: 0.10.2.dev20260603
libtpu: 0.0.44.dev20260713+nightly
codegen_flags: <defaults>
</compile_context>

<pallas_src>
import functools
import math

import jax
import jax.numpy as jnp
from jax import lax
from jax.experimental import pallas as pl
from jax.experimental.pallas import tpu as pltpu
from jax.experimental.pallas import tpu_sc as plsc

B, S, D = 16, 512, 2048
K = 16
H = 1024
SF = 128
SH = 256
MULT = 1.0

_NC = 2
_ROWS = S // 2


_CH = 16
_NCH = _ROWS // _CH


def _sc_copy_body(src_ref, dst_ref, buf0, buf1, si0, si1, so0, so1):
    c = lax.axis_index("c")
    s = lax.axis_index("s")
    wid = s * _NC + c
    b = wid // 2
    base = (wid % 2) * _ROWS
    bufs = (buf0, buf1)
    sin = (si0, si1)
    sout = (so0, so1)

    def src_at(i):
        return src_ref.at[b, pl.ds(base + i * _CH, _CH)]

    def dst_at(i):
        return dst_ref.at[b, pl.ds(base + i * _CH, _CH)]

    pltpu.make_async_copy(src_at(0), bufs[0], sin[0]).start()
    for i in range(_NCH):
        pb = bufs[i % 2]
        pltpu.make_async_copy(src_at(i), pb, sin[i % 2]).wait()
        pltpu.make_async_copy(pb, dst_at(i), sout[i % 2]).start()
        if i + 1 < _NCH:
            if i >= 1:
                pltpu.make_async_copy(
                    bufs[(i + 1) % 2], dst_at(i - 1), sout[(i + 1) % 2]
                ).wait()
            pltpu.make_async_copy(
                src_at(i + 1), bufs[(i + 1) % 2], sin[(i + 1) % 2]
            ).start()
    pltpu.make_async_copy(
        bufs[(_NCH - 2) % 2], dst_at(_NCH - 2), sout[(_NCH - 2) % 2]).wait()
    pltpu.make_async_copy(
        bufs[(_NCH - 1) % 2], dst_at(_NCH - 1), sout[(_NCH - 1) % 2]).wait()


def _pool_kernel(seq_ref, x_ref, pooled_ref):
    b = pl.program_id(0)
    x = x_ref[0]
    n = seq_ref[b]
    row = jax.lax.broadcasted_iota(jnp.int32, (S, D), 0)
    mask = (row < n).astype(jnp.float32)
    denom = jnp.maximum(n.astype(jnp.float32), 1.0)
    pooled_ref[0] = jnp.sum(x * mask, axis=0, keepdims=True) / denom


def _heads_kernel(pooled_ref, w1_ref, b1_ref, t_ref, w3_ref, b3_ref,
                  h_ref, hs_ref):
    pooled = pooled_ref[...][:, 0, :]
    pre = jnp.dot(pooled, w1_ref[...],
                  preferred_element_type=jnp.float32) + b1_ref[...]
    h_ref[...] = 0.5 * pre * (1.0 + jax.lax.erf(pre * (2.0 ** -0.5)))
    t = t_ref[...]
    half = SF // 2
    idx = jax.lax.broadcasted_iota(jnp.int32, (B, half), 1).astype(jnp.float32)
    freqs = jnp.exp((-math.log(10000.0) / half) * idx)
    angles = t * freqs
    feat = jnp.concatenate([jnp.cos(angles), jnp.sin(angles)], axis=1)
    pre_s = jnp.dot(feat, w3_ref[...],
                    preferred_element_type=jnp.float32) + b3_ref[...]
    hs_ref[...] = pre_s * jax.nn.sigmoid(pre_s)


def _postfix_kernel(h_ref, hs_ref, w2_ref, b2_ref, w4_ref,
                    b4_ref, slot_ref, out_ref):
    j = pl.program_id(0)
    val = jnp.dot(h_ref[...], w2_ref[...],
                  preferred_element_type=jnp.float32)
    val = val + jnp.dot(hs_ref[...], w4_ref[...],
                        preferred_element_type=jnp.float32)
    val = val + b2_ref[...] + b4_ref[...] + slot_ref[0]
    out_ref[:, j, :] = val * MULT


def _finish_kernel(out_in_ref, postfix_ref, out_ref):
    del out_in_ref
    out_ref[...] = postfix_ref[...]


def kernel(crossattn_emb, crossattn_seqlens, timesteps, W1, b1, W2, b2,
           slot_embed, W3, b3, W4, b4):
    f32 = jnp.float32

    mesh = plsc.VectorSubcoreMesh(core_axis_name="c", subcore_axis_name="s")
    copy_out = functools.partial(
        pl.kernel,
        out_type=jax.ShapeDtypeStruct((B, S, D), f32),
        mesh=mesh,
        scratch_types=[
            pltpu.VMEM((_CH, D), f32),
            pltpu.VMEM((_CH, D), f32),
            pltpu.SemaphoreType.DMA,
            pltpu.SemaphoreType.DMA,
            pltpu.SemaphoreType.DMA,
            pltpu.SemaphoreType.DMA,
        ],
    )(_sc_copy_body)(crossattn_emb)

    pooled = pl.pallas_call(
        _pool_kernel,
        grid=(B,),
        in_specs=[
            pl.BlockSpec(memory_space=pltpu.SMEM),
            pl.BlockSpec((1, S, D), lambda b: (b, 0, 0)),
        ],
        out_specs=pl.BlockSpec((1, 1, D), lambda b: (b, 0, 0)),
        out_shape=jax.ShapeDtypeStruct((B, 1, D), f32),
    )(crossattn_seqlens.astype(jnp.int32), crossattn_emb)

    h, hs = pl.pallas_call(
        _heads_kernel,
        in_specs=[
            pl.BlockSpec((B, 1, D), lambda: (0, 0, 0)),
            pl.BlockSpec((D, H), lambda: (0, 0)),
            pl.BlockSpec((1, H), lambda: (0, 0)),
            pl.BlockSpec((B, 1), lambda: (0, 0)),
            pl.BlockSpec((SF, SH), lambda: (0, 0)),
            pl.BlockSpec((1, SH), lambda: (0, 0)),
        ],
        out_specs=[
            pl.BlockSpec((B, H), lambda: (0, 0)),
            pl.BlockSpec((B, SH), lambda: (0, 0)),
        ],
        out_shape=[
            jax.ShapeDtypeStruct((B, H), f32),
            jax.ShapeDtypeStruct((B, SH), f32),
        ],
    )(pooled, W1, b1.reshape(1, H), timesteps.reshape(B, 1).astype(f32),
      W3, b3.reshape(1, SH))

    postfix = pl.pallas_call(
        _postfix_kernel,
        grid=(K,),
        in_specs=[
            pl.BlockSpec((B, H), lambda j: (0, 0)),
            pl.BlockSpec((B, SH), lambda j: (0, 0)),
            pl.BlockSpec((H, D), lambda j: (0, j)),
            pl.BlockSpec((1, D), lambda j: (0, j)),
            pl.BlockSpec((SH, D), lambda j: (0, j)),
            pl.BlockSpec((1, D), lambda j: (0, j)),
            pl.BlockSpec((1, 1, D), lambda j: (j, 0, 0)),
        ],
        out_specs=pl.BlockSpec((B, K, D), lambda j: (0, 0, 0)),
        out_shape=jax.ShapeDtypeStruct((B, K, D), f32),
    )(h, hs, W2, b2.reshape(1, K * D), W4, b4.reshape(1, K * D),
      slot_embed.reshape(K, 1, D))

    out = pl.pallas_call(
        _finish_kernel,
        grid=(1,),
        in_specs=[
            pl.BlockSpec(memory_space=pltpu.HBM),
            pl.BlockSpec((B, K, D), lambda i: (0, 0, 0)),
        ],
        out_specs=pl.BlockSpec(
            (B, K, D), lambda i: (0, (S - K) // K, 0)),
        out_shape=jax.ShapeDtypeStruct((B, S, D), f32),
        input_output_aliases={0: 0},
    )(copy_out, postfix)

    return out

# --- scband reference (transcript-rebuilt; emitter-appended) ---
"""Pipeline reference for scband-postfix-network-326417514828 (READ-ONLY COPY).

The authoritative reference and input builder live on the scoring server;
editing this copy changes nothing except your own understanding.
"""

import math
import jax, jax.numpy as jnp
import numpy as np

B, S, D = 16, 512, 2048
K = 16          # num_postfix_tokens
H = 1024        # cond_hidden_dim
SF = 128        # sigma_feature_dim
SH = 256        # sigma_hidden_dim
MULT = 1.0


def setup_inputs(seed: int = 0) -> dict:
    key = jax.random.key(seed)
    ks = jax.random.split(key, 12)
    crossattn_emb = jax.random.normal(ks[0], (B, S, D), dtype=jnp.float32)
    crossattn_seqlens = jax.random.randint(ks[1], (B,), 1, S - K)
    timesteps = jax.random.uniform(ks[2], (B,), dtype=jnp.float32)
    # cond_mlp params (Linear(D,H) -> GELU -> Linear(H, K*D)); last layer is
    # zero-inited in the original module, use small random values so the
    # computation is nontrivial for testing.
    W1 = jax.random.normal(ks[3], (D, H), dtype=jnp.float32) * 0.02
    b1 = jnp.zeros((H,), dtype=jnp.float32)
    W2 = jax.random.normal(ks[4], (H, K * D), dtype=jnp.float32) * 0.02
    b2 = jnp.zeros((K * D,), dtype=jnp.float32)
    slot_embed = jax.random.normal(ks[5], (K, D), dtype=jnp.float32) * 0.02
    # sigma_mlp params (Linear(SF,SH) -> SiLU -> Linear(SH, K*D))
    W3 = jax.random.normal(ks[6], (SF, SH), dtype=jnp.float32) * 0.02
    b3 = jnp.zeros((SH,), dtype=jnp.float32)
    W4 = jax.random.normal(ks[7], (SH, K * D), dtype=jnp.float32) * 0.02
    b4 = jnp.zeros((K * D,), dtype=jnp.float32)
    return {
        'crossattn_emb': crossattn_emb,
        'crossattn_seqlens': crossattn_seqlens,
        'timesteps': timesteps,
        'W1': W1, 'b1': b1, 'W2': W2, 'b2': b2,
        'slot_embed': slot_embed,
        'W3': W3, 'b3': b3, 'W4': W4, 'b4': b4,
    }


def _sigma_features(timesteps):
    t = timesteps.reshape(-1).astype(jnp.float32)
    half = SF // 2
    exponent = -math.log(10000.0) * jnp.arange(half, dtype=jnp.float32) / max(half, 1)
    freqs = jnp.exp(exponent)
    angles = t[:, None] * freqs[None, :]
    return jnp.concatenate([jnp.cos(angles), jnp.sin(angles)], axis=-1)


def reference(crossattn_emb, crossattn_seqlens, timesteps, W1, b1, W2, b2, slot_embed, W3, b3, W4, b4):
    Bq, Sq, Dq = crossattn_emb.shape
    # masked mean-pool over real tokens
    pos = jnp.arange(Sq)[None, :]
    mask = (pos < crossattn_seqlens[:, None]).astype(crossattn_emb.dtype)
    denom = jnp.clip(jnp.sum(mask, axis=1, keepdims=True), 1.0, None)
    pooled = jnp.sum(crossattn_emb * mask[:, :, None], axis=1) / denom
    # cond_mlp: Linear -> GELU (exact, matching torch default) -> Linear
    h = jax.nn.gelu(pooled @ W1 + b1, approximate=False)
    cond_out = (h @ W2 + b2).reshape(Bq, K, Dq)
    postfix = cond_out + slot_embed[None, :, :]
    # sigma residual: sinusoidal features -> Linear -> SiLU -> Linear
    sigma_feat = _sigma_features(timesteps)
    hs = jax.nn.silu(sigma_feat @ W3 + b3)
    sigma_residual = (hs @ W4 + b4).reshape(Bq, K, Dq)
    postfix = (postfix + sigma_residual) * MULT
    # splice_position == 'end_of_sequence': overwrite slots [S-K, S)
    out = crossattn_emb.at[:, Sq - K:, :].set(postfix)
    return out

if __name__ == "__main__":
    import jax
    _d = setup_inputs()
    print(jax.jit(kernel)(*tuple(_d.values())))

</pallas_src>

<mosaic_0001>
#map = affine_map<(d0, d1) -> (0, 0, 0)>
module attributes {stable_mosaic.version = 14 : i64} {
  func.func @_sc_copy_body(%arg0: i32, %arg1: i32, %arg2: memref<16x512x2048xf32, #tpu.memory_space<hbm>>, %arg3: memref<16x512x2048xf32, #tpu.memory_space<hbm>>, %arg4: memref<16x2048xf32, #tpu.memory_space<vmem>>, %arg5: memref<16x2048xf32, #tpu.memory_space<vmem>>, %arg6: memref<!tpu.dma_semaphore, #tpu.memory_space<semaphore_mem>>, %arg7: memref<!tpu.dma_semaphore, #tpu.memory_space<semaphore_mem>>, %arg8: memref<!tpu.dma_semaphore, #tpu.memory_space<semaphore_mem>>, %arg9: memref<!tpu.dma_semaphore, #tpu.memory_space<semaphore_mem>>) attributes {dimension_semantics = [#tpu.dimension_semantics<core_parallel>, #tpu.dimension_semantics<subcore_parallel>], iteration_bounds = array<i64: 2, 16>, scalar_prefetch = 0 : i64, scratch_operands = 6 : i64, tpu.core_type = #tpu.core_type<sc_vector_subcore>, window_params = [{transform_indices = #map}, {transform_indices = #map}]} {
    %mul3A = arith.constant 2 : i32
    %mul3A_0 = arith.muli %arg1, %mul3A : i32
    %add3A = arith.addi %mul3A_0, %arg0 : i32
    %jit3A = arith.constant 2 : i32
    %div3A = arith.divsi %add3A, %jit3A : i32
    %sign3A = arith.constant 0 : i32
    %sign3A_1 = arith.cmpi sgt, %add3A, %sign3A : i32
    %sign3A_2 = arith.extui %sign3A_1 : i1 to i32
    %sign3A_3 = arith.constant 0 : i32
    %sign3A_4 = arith.cmpi slt, %add3A, %sign3A_3 : i32
    %sign3A_5 = arith.extui %sign3A_4 : i1 to i32
    %sign3A_6 = arith.subi %sign3A_2, %sign3A_5 : i32
    %sign3A_7 = arith.constant 0 : i32
    %sign3A_8 = arith.cmpi sgt, %jit3A, %sign3A_7 : i32
    %sign3A_9 = arith.extui %sign3A_8 : i1 to i32
    %sign3A_10 = arith.constant 0 : i32
    %sign3A_11 = arith.cmpi slt, %jit3A, %sign3A_10 : i32
    %sign3A_12 = arith.extui %sign3A_11 : i1 to i32
    %sign3A_13 = arith.subi %sign3A_9, %sign3A_12 : i32
    %ne3A = arith.cmpi ne, %sign3A_6, %sign3A_13 : i32
    %rem3A = arith.remsi %add3A, %jit3A : i32
    %ne3A_14 = arith.constant 0 : i32
    %ne3A_15 = arith.cmpi ne, %rem3A, %ne3A_14 : i32
    %and3A = arith.andi %ne3A, %ne3A_15 : i1
    %sub3A = arith.constant 1 : i32
    %sub3A_16 = arith.subi %div3A, %sub3A : i32
    %select_n3A = arith.select %and3A, %sub3A_16, %div3A : i32
    %jit3A_17 = arith.constant 2 : i32
    %eq3A = arith.constant 0 : i32
    %eq3A_18 = arith.cmpi eq, %jit3A_17, %eq3A : i32
    %jit3A_19 = arith.constant 1 : i32
    %select_n3A_20 = arith.select %eq3A_18, %jit3A_19, %jit3A_17 : i32
    %rem3A_21 = arith.remsi %add3A, %select_n3A_20 : i32
    %ne3A_22 = arith.constant 0 : i32
    %ne3A_23 = arith.cmpi ne, %rem3A_21, %ne3A_22 : i32
    %lt3A = arith.constant 0 : i32
    %lt3A_24 = arith.cmpi slt, %rem3A_21, %lt3A : i32
    %lt3A_25 = arith.constant 0 : i32
    %lt3A_26 = arith.cmpi slt, %select_n3A_20, %lt3A_25 : i32
    %ne3A_27 = arith.xori %lt3A_24, %lt3A_26 : i1
    %and3A_28 = arith.andi %ne3A_27, %ne3A_23 : i1
    %add3A_29 = arith.addi %rem3A_21, %select_n3A_20 : i32
    %select_n3A_30 = arith.select %and3A_28, %add3A_29, %rem3A_21 : i32
    %mul3A_31 = arith.constant 256 : i32
    %mul3A_32 = arith.muli %select_n3A_30, %mul3A_31 : i32
    %add3A_33 = arith.constant 0 : i32
    %add3A_34 = arith.addi %mul3A_32, %add3A_33 : i32
    %dma_start3A = arith.constant 0 : i32
    %dma_start3A_35 = tpu.memref_slice %arg2[%select_n3A, %add3A_34, %dma_start3A] : memref<16x512x2048xf32, #tpu.memory_space<hbm>> -> memref<1x16x2048xf32, #tpu.memory_space<hbm>>
    %dma_start3A_36 = tpu.memref_squeeze %dma_start3A_35 : memref<1x16x2048xf32, #tpu.memory_space<hbm>> -> memref<16x2048xf32, #tpu.memory_space<hbm>>
    %dma_start3A_37 = arith.constant 0 : i32
    %dma_start3A_38 = tpu.memref_slice %arg2[%select_n3A, %add3A_34, %dma_start3A_37] : memref<16x512x2048xf32, #tpu.memory_space<hbm>> -> memref<1x16x2048xf32, #tpu.memory_space<hbm>>
    %dma_start3A_39 = tpu.memref_squeeze %dma_start3A_38 : memref<1x16x2048xf32, #tpu.memory_space<hbm>> -> memref<16x2048xf32, #tpu.memory_space<hbm>>
    tpu.enqueue_dma source(%dma_start3A_39 : memref<16x2048xf32, #tpu.memory_space<hbm>>) target(%arg4 : memref<16x2048xf32, #tpu.memory_space<vmem>>) target_semaphore(%arg6 : memref<!tpu.dma_semaphore, #tpu.memory_space<semaphore_mem>>)
    %add3A_40 = arith.constant 0 : i32
    %add3A_41 = arith.addi %mul3A_32, %add3A_40 : i32
    %dma_wait3A = arith.constant 0 : i32
    %dma_wait3A_42 = tpu.memref_slice %arg2[%select_n3A, %add3A_41, %dma_wait3A] : memref<16x512x2048xf32, #tpu.memory_space<hbm>> -> memref<1x16x2048xf32, #tpu.memory_space<hbm>>
    %dma_wait3A_43 = tpu.memref_squeeze %dma_wait3A_42 : memref<1x16x2048xf32, #tpu.memory_space<hbm>> -> memref<16x2048xf32, #tpu.memory_space<hbm>>
    %dma_wait3A_44 = arith.constant 0 : i32
    %dma_wait3A_45 = tpu.memref_slice %arg2[%select_n3A, %add3A_41, %dma_wait3A_44] : memref<16x512x2048xf32, #tpu.memory_space<hbm>> -> memref<1x16x2048xf32, #tpu.memory_space<hbm>>
    %dma_wait3A_46 = tpu.memref_squeeze %dma_wait3A_45 : memref<1x16x2048xf32, #tpu.memory_space<hbm>> -> memref<16x2048xf32, #tpu.memory_space<hbm>>
    tpu.wait_dma2 semaphore(%arg6 : memref<!tpu.dma_semaphore, #tpu.memory_space<semaphore_mem>>) src(%dma_wait3A_46 : memref<16x2048xf32, #tpu.memory_space<hbm>>) dst(%arg4 : memref<16x2048xf32, #tpu.memory_space<vmem>>)
    %add3A_47 = arith.constant 0 : i32
    %add3A_48 = arith.addi %mul3A_32, %add3A_47 : i32
    %dma_start3A_49 = arith.constant 0 : i32
    %dma_start3A_50 = tpu.memref_slice %arg3[%select_n3A, %add3A_48, %dma_start3A_49] : memref<16x512x2048xf32, #tpu.memory_space<hbm>> -> memref<1x16x2048xf32, #tpu.memory_space<hbm>>
    %dma_start3A_51 = tpu.memref_squeeze %dma_start3A_50 : memref<1x16x2048xf32, #tpu.memory_space<hbm>> -> memref<16x2048xf32, #tpu.memory_space<hbm>>
    %dma_start3A_52 = arith.constant 0 : i32
    %dma_start3A_53 = tpu.memref_slice %arg3[%select_n3A, %add3A_48, %dma_start3A_52] : memref<16x512x2048xf32, #tpu.memory_space<hbm>> -> memref<1x16x2048xf32, #tpu.memory_space<hbm>>
    %dma_start3A_54 = tpu.memref_squeeze %dma_start3A_53 : memref<1x16x2048xf32, #tpu.memory_space<hbm>> -> memref<16x2048xf32, #tpu.memory_space<hbm>>
    tpu.enqueue_dma source(%arg4 : memref<16x2048xf32, #tpu.memory_space<vmem>>) target(%dma_start3A_54 : memref<16x2048xf32, #tpu.memory_space<hbm>>) target_semaphore(%arg8 : memref<!tpu.dma_semaphore, #tpu.memory_space<semaphore_mem>>)
    %add3A_55 = arith.constant 16 : i32
    %add3A_56 = arith.addi %mul3A_32, %add3A_55 : i32
    %dma_start3A_57 = arith.constant 0 : i32
    %dma_start3A_58 = tpu.memref_slice %arg2[%select_n3A, %add3A_56, %dma_start3A_57] : memref<16x512x2048xf32, #tpu.memory_space<hbm>> -> memref<1x16x2048xf32, #tpu.memory_space<hbm>>
    %dma_start3A_59 = tpu.memref_squeeze %dma_start3A_58 : memref<1x16x2048xf32, #tpu.memory_space<hbm>> -> memref<16x2048xf32, #tpu.memory_space<hbm>>
    %dma_start3A_60 = arith.constant 0 : i32
    %dma_start3A_61 = tpu.memref_slice %arg2[%select_n3A, %add3A_56, %dma_start3A_60] : memref<16x512x2048xf32, #tpu.memory_space<hbm>> -> memref<1x16x2048xf32, #tpu.memory_space<hbm>>
    %dma_start3A_62 = tpu.memref_squeeze %dma_start3A_61 : memref<1x16x2048xf32, #tpu.memory_space<hbm>> -> memref<16x2048xf32, #tpu.memory_space<hbm>>
    tpu.enqueue_dma source(%dma_start3A_62 : memref<16x2048xf32, #tpu.memory_space<hbm>>) target(%arg5 : memref<16x2048xf32, #tpu.memory_space<vmem>>) target_semaphore(%arg7 : memref<!tpu.dma_semaphore, #tpu.memory_space<semaphore_mem>>)
    %add3A_63 = arith.constant 16 : i32
    %add3A_64 = arith.addi %mul3A_32, %add3A_63 : i32
    %dma_wait3A_65 = arith.constant 0 : i32
    %dma_wait3A_66 = tpu.memref_slice %arg2[%select_n3A, %add3A_64, %dma_wait3A_65] : memref<16x512x2048xf32, #tpu.memory_space<hbm>> -> memref<1x16x2048xf32, #tpu.memory_space<hbm>>
    %dma_wait3A_67 = tpu.memref_squeeze %dma_wait3A_66 : memref<1x16x2048xf32, #tpu.memory_space<hbm>> -> memref<16x2048xf32, #tpu.memory_space<hbm>>
    %dma_wait3A_68 = arith.constant 0 : i32
    %dma_wait3A_69 = tpu.memref_slice %arg2[%select_n3A, %add3A_64, %dma_wait3A_68] : memref<16x512x2048xf32, #tpu.memory_space<hbm>> -> memref<1x16x2048xf32, #tpu.memory_space<hbm>>
    %dma_wait3A_70 = tpu.memref_squeeze %dma_wait3A_69 : memref<1x16x2048xf32, #tpu.memory_space<hbm>> -> memref<16x2048xf32, #tpu.memory_space<hbm>>
    tpu.wait_dma2 semaphore(%arg7 : memref<!tpu.dma_semaphore, #tpu.memory_space<semaphore_mem>>) src(%dma_wait3A_70 : memref<16x2048xf32, #tpu.memory_space<hbm>>) dst(%arg5 : memref<16x2048xf32, #tpu.memory_space<vmem>>)
    %add3A_71 = arith.constant 16 : i32
    %add3A_72 = arith.addi %mul3A_32, %add3A_71 : i32
    %dma_start3A_73 = arith.constant 0 : i32
    %dma_start3A_74 = tpu.memref_slice %arg3[%select_n3A, %add3A_72, %dma_start3A_73] : memref<16x512x2048xf32, #tpu.memory_space<hbm>> -> memref<1x16x2048xf32, #tpu.memory_space<hbm>>
    %dma_start3A_75 = tpu.memref_squeeze %dma_start3A_74 : memref<1x16x2048xf32, #tpu.memory_space<hbm>> -> memref<16x2048xf32, #tpu.memory_space<hbm>>
    %dma_start3A_76 = arith.constant 0 : i32
    %dma_start3A_77 = tpu.memref_slice %arg3[%select_n3A, %add3A_72, %dma_start3A_76] : memref<16x512x2048xf32, #tpu.memory_space<hbm>> -> memref<1x16x2048xf32, #tpu.memory_space<hbm>>
    %dma_start3A_78 = tpu.memref_squeeze %dma_start3A_77 : memref<1x16x2048xf32, #tpu.memory_space<hbm>> -> memref<16x2048xf32, #tpu.memory_space<hbm>>
    tpu.enqueue_dma source(%arg5 : memref<16x2048xf32, #tpu.memory_space<vmem>>) target(%dma_start3A_78 : memref<16x2048xf32, #tpu.memory_space<hbm>>) target_semaphore(%arg9 : memref<!tpu.dma_semaphore, #tpu.memory_space<semaphore_mem>>)
    %add3A_79 = arith.constant 0 : i32
    %add3A_80 = arith.addi %mul3A_32, %add3A_79 : i32
    %dma_wait3A_81 = arith.constant 0 : i32
    %dma_wait3A_82 = tpu.memref_slice %arg3[%select_n3A, %add3A_80, %dma_wait3A_81] : memref<16x512x2048xf32, #tpu.memory_space<hbm>> -> memref<1x16x2048xf32, #tpu.memory_space<hbm>>
    %dma_wait3A_83 = tpu.memref_squeeze %dma_wait3A_82 : memref<1x16x2048xf32, #tpu.memory_space<hbm>> -> memref<16x2048xf32, #tpu.memory_space<hbm>>
    %dma_wait3A_84 = arith.constant 0 : i32
    %dma_wait3A_85 = tpu.memref_slice %arg3[%select_n3A, %add3A_80, %dma_wait3A_84] : memref<16x512x2048xf32, #tpu.memory_space<hbm>> -> memref<1x16x2048xf32, #tpu.memory_space<hbm>>
    %dma_wait3A_86 = tpu.memref_squeeze %dma_wait3A_85 : memref<1x16x2048xf32, #tpu.memory_space<hbm>> -> memref<16x2048xf32, #tpu.memory_space<hbm>>
    tpu.wait_dma2 semaphore(%arg8 : memref<!tpu.dma_semaphore, #tpu.memory_space<semaphore_mem>>) src(%arg4 : memref<16x2048xf32, #tpu.memory_space<vmem>>) dst(%dma_wait3A_86 : memref<16x2048xf32, #tpu.memory_space<hbm>>)
    %add3A_87 = arith.constant 32 : i32
    %add3A_88 = arith.addi %mul3A_32, %add3A_87 : i32
    %dma_start3A_89 = arith.constant 0 : i32
    %dma_start3A_90 = tpu.memref_slice %arg2[%select_n3A, %add3A_88, %dma_start3A_89] : memref<16x512x2048xf32, #tpu.memory_space<hbm>> -> memref<1x16x2048xf32, #tpu.memory_space<hbm>>
    %dma_start3A_91 = tpu.memref_squeeze %dma_start3A_90 : memref<1x16x2048xf32, #tpu.memory_space<hbm>> -> memref<16x2048xf32, #tpu.memory_space<hbm>>
    %dma_start3A_92 = arith.constant 0 : i32
    %dma_start3A_93 = tpu.memref_slice %arg2[%select_n3A, %add3A_88, %dma_start3A_92] : memref<16x512x2048xf32, #tpu.memory_space<hbm>> -> memref<1x16x2048xf32, #tpu.memory_space<hbm>>
    %dma_start3A_94 = tpu.memref_squeeze %dma_start3A_93 : memref<1x16x2048xf32, #tpu.memory_space<hbm>> -> memref<16x2048xf32, #tpu.memory_space<hbm>>
    tpu.enqueue_dma source(%dma_start3A_94 : memref<16x2048xf32, #tpu.memory_space<hbm>>) target(%arg4 : memref<16x2048xf32, #tpu.memory_space<vmem>>) target_semaphore(%arg6 : memref<!tpu.dma_semaphore, #tpu.memory_space<semaphore_mem>>)
    %add3A_95 = arith.constant 32 : i32
    %add3A_96 = arith.addi %mul3A_32, %add3A_95 : i32
    %dma_wait3A_97 = arith.constant 0 : i32
    %dma_wait3A_98 = tpu.memref_slice %arg2[%select_n3A, %add3A_96, %dma_wait3A_97] : memref<16x512x2048xf32, #tpu.memory_space<hbm>> -> memref<1x16x2048xf32, #tpu.memory_space<hbm>>
    %dma_wait3A_99 = tpu.memref_squeeze %dma_wait3A_98 : memref<1x16x2048xf32, #tpu.memory_space<hbm>> -> memref<16x2048xf32, #tpu.memory_space<hbm>>
    %dma_wait3A_100 = arith.constant 0 : i32
    %dma_wait3A_101 = tpu.memref_slice %arg2[%select_n3A, %add3A_96, %dma_wait3A_100] : memref<16x512x2048xf32, #tpu.memory_space<hbm>> -> memref<1x16x2048xf32, #tpu.memory_space<hbm>>
    %dma_wait3A_102 = tpu.memref_squeeze %dma_wait3A_101 : memref<1x16x2048xf32, #tpu.memory_space<hbm>> -> memref<16x2048xf32, #tpu.memory_space<hbm>>
    tpu.wait_dma2 semaphore(%arg6 : memref<!tpu.dma_semaphore, #tpu.memory_space<semaphore_mem>>) src(%dma_wait3A_102 : memref<16x2048xf32, #tpu.memory_space<hbm>>) dst(%arg4 : memref<16x2048xf32, #tpu.memory_space<vmem>>)
    %add3A_103 = arith.constant 32 : i32
    %add3A_104 = arith.addi %mul3A_32, %add3A_103 : i32
    %dma_start3A_105 = arith.constant 0 : i32
    %dma_start3A_106 = tpu.memref_slice %arg3[%select_n3A, %add3A_104, %dma_start3A_105] : memref<16x512x2048xf32, #tpu.memory_space<hbm>> -> memref<1x16x2048xf32, #tpu.memory_space<hbm>>
    %dma_start3A_107 = tpu.memref_squeeze %dma_start3A_106 : memref<1x16x2048xf32, #tpu.memory_space<hbm>> -> memref<16x2048xf32, #tpu.memory_space<hbm>>
    %dma_start3A_108 = arith.constant 0 : i32
    %dma_start3A_109 = tpu.memref_slice %arg3[%select_n3A, %add3A_104, %dma_start3A_108] : memref<16x512x2048xf32, #tpu.memory_space<hbm>> -> memref<1x16x2048xf32, #tpu.memory_space<hbm>>
    %dma_start3A_110 = tpu.memref_squeeze %dma_start3A_109 : memref<1x16x2048xf32, #tpu.memory_space<hbm>> -> memref<16x2048xf32, #tpu.memory_space<hbm>>
    tpu.enqueue_dma source(%arg4 : memref<16x2048xf32, #tpu.memory_space<vmem>>) target(%dma_start3A_110 : memref<16x2048xf32, #tpu.memory_space<hbm>>) target_semaphore(%arg8 : memref<!tpu.dma_semaphore, #tpu.memory_space<semaphore_mem>>)
    %add3A_111 = arith.constant 16 : i32
    %add3A_112 = arith.addi %mul3A_32, %add3A_111 : i32
    %dma_wait3A_113 = arith.constant 0 : i32
    %dma_wait3A_114 = tpu.memref_slice %arg3[%select_n3A, %add3A_112, %dma_wait3A_113] : memref<16x512x2048xf32, #tpu.memory_space<hbm>> -> memref<1x16x2048xf32, #tpu.memory_space<hbm>>
    %dma_wait3A_115 = tpu.memref_squeeze %dma_wait3A_114 : memref<1x16x2048xf32, #tpu.memory_space<hbm>> -> memref<16x2048xf32, #tpu.memory_space<hbm>>
    %dma_wait3A_116 = arith.constant 0 : i32
    %dma_wait3A_117 = tpu.memref_slice %arg3[%select_n3A, %add3A_112, %dma_wait3A_116] : memref<16x512x2048xf32, #tpu.memory_space<hbm>> -> memref<1x16x2048xf32, #tpu.memory_space<hbm>>
    %dma_wait3A_118 = tpu.memref_squeeze %dma_wait3A_117 : memref<1x16x2048xf32, #tpu.memory_space<hbm>> -> memref<16x2048xf32, #tpu.memory_space<hbm>>
    tpu.wait_dma2 semaphore(%arg9 : memref<!tpu.dma_semaphore, #tpu.memory_space<semaphore_mem>>) src(%arg5 : memref<16x2048xf32, #tpu.memory_space<vmem>>) dst(%dma_wait3A_118 : memref<16x2048xf32, #tpu.memory_space<hbm>>)
    %add3A_119 = arith.constant 48 : i32
    %add3A_120 = arith.addi %mul3A_32, %add3A_119 : i32
    %dma_start3A_121 = arith.constant 0 : i32
    %dma_start3A_122 = tpu.memref_slice %arg2[%select_n3A, %add3A_120, %dma_start3A_121] : memref<16x512x2048xf32, #tpu.memory_space<hbm>> -> memref<1x16x2048xf32, #tpu.memory_space<hbm>>
    %dma_start3A_123 = tpu.memref_squeeze %dma_start3A_122 : memref<1x16x2048xf32, #tpu.memory_space<hbm>> -> memref<16x2048xf32, #tpu.memory_space<hbm>>
    %dma_start3A_124 = arith.constant 0 : i32
    %dma_start3A_125 = tpu.memref_slice %arg2[%select_n3A, %add3A_120, %dma_start3A_124] : memref<16x512x2048xf32, #tpu.memory_space<hbm>> -> memref<1x16x2048xf32, #tpu.memory_space<hbm>>
    %dma_start3A_126 = tpu.memref_squeeze %dma_start3A_125 : memref<1x16x2048xf32, #tpu.memory_space<hbm>> -> memref<16x2048xf32, #tpu.memory_space<hbm>>
    tpu.enqueue_dma source(%dma_start3A_126 : memref<16x2048xf32, #tpu.memory_space<hbm>>) target(%arg5 : memref<16x2048xf32, #tpu.memory_space<vmem>>) target_semaphore(%arg7 : memref<!tpu.dma_semaphore, #tpu.memory_space<semaphore_mem>>)
    %add3A_127 = arith.constant 48 : i32
    %add3A_128 = arith.addi %mul3A_32, %add3A_127 : i32
    %dma_wait3A_129 = arith.constant 0 : i32
    %dma_wait3A_130 = tpu.memref_slice %arg2[%select_n3A, %add3A_128, %dma_wait3A_129] : memref<16x512x2048xf32, #tpu.memory_space<hbm>> -> memref<1x16x2048xf32, #tpu.memory_space<hbm>>
    %dma_wait3A_131 = tpu.memref_squeeze %dma_wait3A_130 : memref<1x16x2048xf32, #tpu.memory_space<hbm>> -> memref<16x2048xf32, #tpu.memory_space<hbm>>
    %dma_wait3A_132 = arith.constant 0 : i32
    %dma_wait3A_133 = tpu.memref_slice %arg2[%select_n3A, %add3A_128, %dma_wait3A_132] : memref<16x512x2048xf32, #tpu.memory_space<hbm>> -> memref<1x16x2048xf32, #tpu.memory_space<hbm>>
    %dma_wait3A_134 = tpu.memref_squeeze %dma_wait3A_133 : memref<1x16x2048xf32, #tpu.memory_space<hbm>> -> memref<16x2048xf32, #tpu.memory_space<hbm>>
    tpu.wait_dma2 semaphore(%arg7 : memref<!tpu.dma_semaphore, #tpu.memory_space<semaphore_mem>>) src(%dma_wait3A_134 : memref<16x2048xf32, #tpu.memory_space<hbm>>) dst(%arg5 : memref<16x2048xf32, #tpu.memory_space<vmem>>)
    %add3A_135 = arith.constant 48 : i32
    %add3A_136 = arith.addi %mul3A_32, %add3A_135 : i32
    %dma_start3A_137 = arith.constant 0 : i32
    %dma_start3A_138 = tpu.memref_slice %arg3[%select_n3A, %add3A_136, %dma_start3A_137] : memref<16x512x2048xf32, #tpu.memory_space<hbm>> -> memref<1x16x2048xf32, #tpu.memory_space<hbm>>
    %dma_start3A_139 = tpu.memref_squeeze %dma_start3A_138 : memref<1x16x2048xf32, #tpu.memory_space<hbm>> -> memref<16x2048xf32, #tpu.memory_space<hbm>>
    %dma_start3A_140 = arith.constant 0 : i32
    %dma_start3A_141 = tpu.memref_slice %arg3[%select_n3A, %add3A_136, %dma_start3A_140] : memref<16x512x2048xf32, #tpu.memory_space<hbm>> -> memref<1x16x2048xf32, #tpu.memory_space<hbm>>
    %dma_start3A_142 = tpu.memref_squeeze %dma_start3A_141 : memref<1x16x2048xf32, #tpu.memory_space<hbm>> -> memref<16x2048xf32, #tpu.memory_space<hbm>>
    tpu.enqueue_dma source(%arg5 : memref<16x2048xf32, #tpu.memory_space<vmem>>) target(%dma_start3A_142 : memref<16x2048xf32, #tpu.memory_space<hbm>>) target_semaphore(%arg9 : memref<!tpu.dma_semaphore, #tpu.memory_space<semaphore_mem>>)
    %add3A_143 = arith.constant 32 : i32
    %add3A_144 = arith.addi %mul3A_32, %add3A_143 : i32
    %dma_wait3A_145 = arith.constant 0 : i32
    %dma_wait3A_146 = tpu.memref_slice %arg3[%select_n3A, %add3A_144, %dma_wait3A_145] : memref<16x512x2048xf32, #tpu.memory_space<hbm>> -> memref<1x16x2048xf32, #tpu.memory_space<hbm>>
    %dma_wait3A_147 = tpu.memref_squeeze %dma_wait3A_146 : memref<1x16x2048xf32, #tpu.memory_space<hbm>> -> memref<16x2048xf32, #tpu.memory_space<hbm>>
    %dma_wait3A_148 = arith.constant 0 : i32
    %dma_wait3A_149 = tpu.memref_slice %arg3[%select_n3A, %add3A_144, %dma_wait3A_148] : memref<16x512x2048xf32, #tpu.memory_space<hbm>> -> memref<1x16x2048xf32, #tpu.memory_space<hbm>>
    %dma_wait3A_150 = tpu.memref_squeeze %dma_wait3A_149 : memref<1x16x2048xf32, #tpu.memory_space<hbm>> -> memref<16x2048xf32, #tpu.memory_space<hbm>>
    tpu.wait_dma2 semaphore(%arg8 : memref<!tpu.dma_semaphore, #tpu.memory_space<semaphore_mem>>) src(%arg4 : memref<16x2048xf32, #tpu.memory_space<vmem>>) dst(%dma_wait3A_150 : memref<16x2048xf32, #tpu.memory_space<hbm>>)
    %add3A_151 = arith.constant 64 : i32
    %add3A_152 = arith.addi %mul3A_32, %add3A_151 : i32
    %dma_start3A_153 = arith.constant 0 : i32
    %dma_start3A_154 = tpu.memref_slice %arg2[%select_n3A, %add3A_152, %dma_start3A_153] : memref<16x512x2048xf32, #tpu.memory_space<hbm>> -> memref<1x16x2048xf32, #tpu.memory_space<hbm>>
    %dma_start3A_155 = tpu.memref_squeeze %dma_start3A_154 : memref<1x16x2048xf32, #tpu.memory_space<hbm>> -> memref<16x2048xf32, #tpu.memory_space<hbm>>
    %dma_start3A_156 = arith.constant 0 : i32
    %dma_start3A_157 = tpu.memref_slice %arg2[%select_n3A, %add3A_152, %dma_start3A_156] : memref<16x512x2048xf32, #tpu.memory_space<hbm>> -> memref<1x16x2048xf32, #tpu.memory_space<hbm>>
    %dma_start3A_158 = tpu.memref_squeeze %dma_start3A_157 : memref<1x16x2048xf32, #tpu.memory_space<hbm>> -> memref<16x2048xf32, #tpu.memory_space<hbm>>
    tpu.enqueue_dma source(%dma_start3A_158 : memref<16x2048xf32, #tpu.memory_space<hbm>>) target(%arg4 : memref<16x2048xf32, #tpu.memory_space<vmem>>) target_semaphore(%arg6 : memref<!tpu.dma_semaphore, #tpu.memory_space<semaphore_mem>>)
    %add3A_159 = arith.constant 64 : i32
    %add3A_160 = arith.addi %mul3A_32, %add3A_159 : i32
    %dma_wait3A_161 = arith.constant 0 : i32
    %dma_wait3A_162 = tpu.memref_slice %arg2[%select_n3A, %add3A_160, %dma_wait3A_161] : memref<16x512x2048xf32, #tpu.memory_space<hbm>> -> memref<1x16x2048xf32, #tpu.memory_space<hbm>>
    %dma_wait3A_163 = tpu.memref_squeeze %dma_wait3A_162 : memref<1x16x2048xf32, #tpu.memory_space<hbm>> -> memref<16x2048xf32, #tpu.memory_space<hbm>>
    %dma_wait3A_164 = arith.constant 0 : i32
    %dma_wait3A_165 = tpu.memref_slice %arg2[%select_n3A, %add3A_160, %dma_wait3A_164] : memref<16x512x2048xf32, #tpu.memory_space<hbm>> -> memref<1x16x2048xf32, #tpu.memory_space<hbm>>
    %dma_wait3A_166 = tpu.memref_squeeze %dma_wait3A_165 : memref<1x16x2048xf32, #tpu.memory_space<hbm>> -> memref<16x2048xf32, #tpu.memory_space<hbm>>
    tpu.wait_dma2 semaphore(%arg6 : memref<!tpu.dma_semaphore, #tpu.memory_space<semaphore_mem>>) src(%dma_wait3A_166 : memref<16x2048xf32, #tpu.memory_space<hbm>>) dst(%arg4 : memref<16x2048xf32, #tpu.memory_space<vmem>>)
    %add3A_167 = arith.constant 64 : i32
    %add3A_168 = arith.addi %mul3A_32, %add3A_167 : i32
    %dma_start3A_169 = arith.constant 0 : i32
    %dma_start3A_170 = tpu.memref_slice %arg3[%select_n3A, %add3A_168, %dma_start3A_169] : memref<16x512x2048xf32, #tpu.memory_space<hbm>> -> memref<1x16x2048xf32, #tpu.memory_space<hbm>>
    %dma_start3A_171 = tpu.memref_squeeze %dma_start3A_170 : memref<1x16x2048xf32, #tpu.memory_space<hbm>> -> memref<16x2048xf32, #tpu.memory_space<hbm>>
    %dma_start3A_172 = arith.constant 0 : i32
    %dma_start3A_173 = tpu.memref_slice %arg3[%select_n3A, %add3A_168, %dma_start3A_172] : memref<16x512x2048xf32, #tpu.memory_space<hbm>> -> memref<1x16x2048xf32, #tpu.memory_space<hbm>>
    %dma_start3A_174 = tpu.memref_squeeze %dma_start3A_173 : memref<1x16x2048xf32, #tpu.memory_space<hbm>> -> memref<16x2048xf32, #tpu.memory_space<hbm>>
    tpu.enqueue_dma source(%arg4 : memref<16x2048xf32, #tpu.memory_space<vmem>>) target(%dma_start3A_174 : memref<16x2048xf32, #tpu.memory_space<hbm>>) target_semaphore(%arg8 : memref<!tpu.dma_semaphore, #tpu.memory_space<semaphore_mem>>)
    %add3A_175 = arith.constant 48 : i32
    %add3A_176 = arith.addi %mul3A_32, %add3A_175 : i32
    %dma_wait3A_177 = arith.constant 0 : i32
    %dma_wait3A_178 = tpu.memref_slice %arg3[%select_n3A, %add3A_176, %dma_wait3A_177] : memref<16x512x2048xf32, #tpu.memory_space<hbm>> -> memref<1x16x2048xf32, #tpu.memory_space<hbm>>
    %dma_wait3A_179 = tpu.memref_squeeze %dma_wait3A_178 : memref<1x16x2048xf32, #tpu.memory_space<hbm>> -> memref<16x2048xf32, #tpu.memory_space<hbm>>
    %dma_wait3A_180 = arith.constant 0 : i32
    %dma_wait3A_181 = tpu.memref_slice %arg3[%select_n3A, %add3A_176, %dma_wait3A_180] : memref<16x512x2048xf32, #tpu.memory_space<hbm>> -> memref<1x16x2048xf32, #tpu.memory_space<hbm>>
    %dma_wait3A_182 = tpu.memref_squeeze %dma_wait3A_181 : memref<1x16x2048xf32, #tpu.memory_space<hbm>> -> memref<16x2048xf32, #tpu.memory_space<hbm>>
    tpu.wait_dma2 semaphore(%arg9 : memref<!tpu.dma_semaphore, #tpu.memory_space<semaphore_mem>>) src(%arg5 : memref<16x2048xf32, #tpu.memory_space<vmem>>) dst(%dma_wait3A_182 : memref<16x2048xf32, #tpu.memory_space<hbm>>)
    %add3A_183 = arith.constant 80 : i32
    %add3A_184 = arith.addi %mul3A_32, %add3A_183 : i32
    %dma_start3A_185 = arith.constant 0 : i32
    %dma_start3A_186 = tpu.memref_slice %arg2[%select_n3A, %add3A_184, %dma_start3A_185] : memref<16x512x2048xf32, #tpu.memory_space<hbm>> -> memref<1x16x2048xf32, #tpu.memory_space<hbm>>
    %dma_start3A_187 = tpu.memref_squeeze %dma_start3A_186 : memref<1x16x2048xf32, #tpu.memory_space<hbm>> -> memref<16x2048xf32, #tpu.memory_space<hbm>>
    %dma_start3A_188 = arith.constant 0 : i32
    %dma_start3A_189 = tpu.memref_slice %arg2[%select_n3A, %add3A_184, %dma_start3A_188] : memref<16x512x2048xf32, #tpu.memory_space<hbm>> -> memref<1x16x2048xf32, #tpu.memory_space<hbm>>
    %dma_start3A_190 = tpu.memref_squeeze %dma_start3A_189 : memref<1x16x2048xf32, #tpu.memory_space<hbm>> -> memref<16x2048xf32, #tpu.memory_space<hbm>>
    tpu.enqueue_dma source(%dma_start3A_190 : memref<16x2048xf32, #tpu.memory_space<hbm>>) target(%arg5 : memref<16x2048xf32, #tpu.memory_space<vmem>>) target_semaphore(%arg7 : memref<!tpu.dma_semaphore, #tpu.memory_space<semaphore_mem>>)
    %add3A_191 = arith.constant 80 : i32
    %add3A_192 = arith.addi %mul3A_32, %add3A_191 : i32
    %dma_wait3A_193 = arith.constant 0 : i32
    %dma_wait3A_194 = tpu.memref_slice %arg2[%select_n3A, %add3A_192, %dma_wait3A_193] : memref<16x512x2048xf32, #tpu.memory_space<hbm>> -> memref<1x16x2048xf32, #tpu.memory_space<hbm>>
    %dma_wait3A_195 = tpu.memref_squeeze %dma_wait3A_194 : memref<1x16x2048xf32, #tpu.memory_space<hbm>> -> memref<16x2048xf32, #tpu.memory_space<hbm>>
    %dma_wait3A_196 = arith.constant 0 : i32
    %dma_wait3A_197 = tpu.memref_slice %arg2[%select_n3A, %add3A_192, %dma_wait3A_196] : memref<16x512x2048xf32, #tpu.memory_space<hbm>> -> memref<1x16x2048xf32, #tpu.memory_space<hbm>>
    %dma_wait3A_198 = tpu.memref_squeeze %dma_wait3A_197 : memref<1x16x2048xf32, #tpu.memory_space<hbm>> -> memref<16x2048xf32, #tpu.memory_space<hbm>>
    tpu.wait_dma2 semaphore(%arg7 : memref<!tpu.dma_semaphore, #tpu.memory_space<semaphore_mem>>) src(%dma_wait3A_198 : memref<16x2048xf32, #tpu.memory_space<hbm>>) dst(%arg5 : memref<16x2048xf32, #tpu.memory_space<vmem>>)
    %add3A_199 = arith.constant 80 : i32
    %add3A_200 = arith.addi %mul3A_32, %add3A_199 : i32
    %dma_start3A_201 = arith.constant 0 : i32
    %dma_start3A_202 = tpu.memref_slice %arg3[%select_n3A, %add3A_200, %dma_start3A_201] : memref<16x512x2048xf32, #tpu.memory_space<hbm>> -> memref<1x16x2048xf32, #tpu.memory_space<hbm>>
    %dma_start3A_203 = tpu.memref_squeeze %dma_start3A_202 : memref<1x16x2048xf32, #tpu.memory_space<hbm>> -> memref<16x2048xf32, #tpu.memory_space<hbm>>
    %dma_start3A_204 = arith.constant 0 : i32
    %dma_start3A_205 = tpu.memref_slice %arg3[%select_n3A, %add3A_200, %dma_start3A_204] : memref<16x512x2048xf32, #tpu.memory_space<hbm>> -> memref<1x16x2048xf32, #tpu.memory_space<hbm>>
    %dma_start3A_206 = tpu.memref_squeeze %dma_start3A_205 : memref<1x16x2048xf32, #tpu.memory_space<hbm>> -> memref<16x2048xf32, #tpu.memory_space<hbm>>
    tpu.enqueue_dma source(%arg5 : memref<16x2048xf32, #tpu.memory_space<vmem>>) target(%dma_start3A_206 : memref<16x2048xf32, #tpu.memory_space<hbm>>) target_semaphore(%arg9 : memref<!tpu.dma_semaphore, #tpu.memory_space<semaphore_mem>>)
    %add3A_207 = arith.constant 64 : i32
    %add3A_208 = arith.addi %mul3A_32, %add3A_207 : i32
    %dma_wait3A_209 = arith.constant 0 : i32
    %dma_wait3A_210 = tpu.memref_slice %arg3[%select_n3A, %add3A_208, %dma_wait3A_209] : memref<16x512x2048xf32, #tpu.memory_space<hbm>> -> memref<1x16x2048xf32, #tpu.memory_space<hbm>>
    %dma_wait3A_211 = tpu.memref_squeeze %dma_wait3A_210 : memref<1x16x2048xf32, #tpu.memory_space<hbm>> -> memref<16x2048xf32, #tpu.memory_space<hbm>>
    %dma_wait3A_212 = arith.constant 0 : i32
    %dma_wait3A_213 = tpu.memref_slice %arg3[%select_n3A, %add3A_208, %dma_wait3A_212] : memref<16x512x2048xf32, #tpu.memory_space<hbm>> -> memref<1x16x2048xf32, #tpu.memory_space<hbm>>
    %dma_wait3A_214 = tpu.memref_squeeze %dma_wait3A_213 : memref<1x16x2048xf32, #tpu.memory_space<hbm>> -> memref<16x2048xf32, #tpu.memory_space<hbm>>
    tpu.wait_dma2 semaphore(%arg8 : memref<!tpu.dma_semaphore, #tpu.memory_space<semaphore_mem>>) src(%arg4 : memref<16x2048xf32, #tpu.memory_space<vmem>>) dst(%dma_wait3A_214 : memref<16x2048xf32, #tpu.memory_space<hbm>>)
    %add3A_215 = arith.constant 96 : i32
    %add3A_216 = arith.addi %mul3A_32, %add3A_215 : i32
    %dma_start3A_217 = arith.constant 0 : i32
    %dma_start3A_218 = tpu.memref_slice %arg2[%select_n3A, %add3A_216, %dma_start3A_217] : memref<16x512x2048xf32, #tpu.memory_space<hbm>> -> memref<1x16x2048xf32, #tpu.memory_space<hbm>>
    %dma_start3A_219 = tpu.memref_squeeze %dma_start3A_218 : memref<1x16x2048xf32, #tpu.memory_space<hbm>> -> memref<16x2048xf32, #tpu.memory_space<hbm>>
    %dma_start3A_220 = arith.constant 0 : i32
    %dma_start3A_221 = tpu.memref_slice %arg2[%select_n3A, %add3A_216, %dma_start3A_220] : memref<16x512x2048xf32, #tpu.memory_space<hbm>> -> memref<1x16x2048xf32, #tpu.memory_space<hbm>>
    %dma_start3A_222 = tpu.memref_squeeze %dma_start3A_221 : memref<1x16x2048xf32, #tpu.memory_space<hbm>> -> memref<16x2048xf32, #tpu.memory_space<hbm>>
    tpu.enqueue_dma source(%dma_start3A_222 : memref<16x2048xf32, #tpu.memory_space<hbm>>) target(%arg4 : memref<16x2048xf32, #tpu.memory_space<vmem>>) target_semaphore(%arg6 : memref<!tpu.dma_semaphore, #tpu.memory_space<semaphore_mem>>)
    %add3A_223 = arith.constant 96 : i32
    %add3A_224 = arith.addi %mul3A_32, %add3A_223 : i32
    %dma_wait3A_225 = arith.constant 0 : i32
    %dma_wait3A_226 = tpu.memref_slice %arg2[%select_n3A, %add3A_224, %dma_wait3A_225] : memref<16x512x2048xf32, #tpu.memory_space<hbm>> -> memref<1x16x2048xf32, #tpu.memory_space<hbm>>
    %dma_wait3A_227 = tpu.memref_squeeze %dma_wait3A_226 : memref<1x16x2048xf32, #tpu.memory_space<hbm>> -> memref<16x2048xf32, #tpu.memory_space<hbm>>
    %dma_wait3A_228 = arith.constant 0 : i32
    %dma_wait3A_229 = tpu.memref_slice %arg2[%select_n3A, %add3A_224, %dma_wait3A_228] : memref<16x512x2048xf32, #tpu.memory_space<hbm>> -> memref<1x16x2048xf32, #tpu.memory_space<hbm>>
    %dma_wait3A_230 = tpu.memref_squeeze %dma_wait3A_229 : memref<1x16x2048xf32, #tpu.memory_space<hbm>> -> memref<16x2048xf32, #tpu.memory_space<hbm>>
    tpu.wait_dma2 semaphore(%arg6 : memref<!tpu.dma_semaphore, #tpu.memory_space<semaphore_mem>>) src(%dma_wait3A_230 : memref<16x2048xf32, #tpu.memory_space<hbm>>) dst(%arg4 : memref<16x2048xf32, #tpu.memory_space<vmem>>)
    %add3A_231 = arith.constant 96 : i32
    %add3A_232 = arith.addi %mul3A_32, %add3A_231 : i32
    %dma_start3A_233 = arith.constant 0 : i32
    %dma_start3A_234 = tpu.memref_slice %arg3[%select_n3A, %add3A_232, %dma_start3A_233] : memref<16x512x2048xf32, #tpu.memory_space<hbm>> -> memref<1x16x2048xf32, #tpu.memory_space<hbm>>
    %dma_start3A_235 = tpu.memref_squeeze %dma_start3A_234 : memref<1x16x2048xf32, #tpu.memory_space<hbm>> -> memref<16x2048xf32, #tpu.memory_space<hbm>>
    %dma_start3A_236 = arith.constant 0 : i32
    %dma_start3A_237 = tpu.memref_slice %arg3[%select_n3A, %add3A_232, %dma_start3A_236] : memref<16x512x2048xf32, #tpu.memory_space<hbm>> -> memref<1x16x2048xf32, #tpu.memory_space<hbm>>
    %dma_start3A_238 = tpu.memref_squeeze %dma_start3A_237 : memref<1x16x2048xf32, #tpu.memory_space<hbm>> -> memref<16x2048xf32, #tpu.memory_space<hbm>>
    tpu.enqueue_dma source(%arg4 : memref<16x2048xf32, #tpu.memory_space<vmem>>) target(%dma_start3A_238 : memref<16x2048xf32, #tpu.memory_space<hbm>>) target_semaphore(%arg8 : memref<!tpu.dma_semaphore, #tpu.memory_space<semaphore_mem>>)
    %add3A_239 = arith.constant 80 : i32
    %add3A_240 = arith.addi %mul3A_32, %add3A_239 : i32
    %dma_wait3A_241 = arith.constant 0 : i32
    %dma_wait3A_242 = tpu.memref_slice %arg3[%select_n3A, %add3A_240, %dma_wait3A_241] : memref<16x512x2048xf32, #tpu.memory_space<hbm>> -> memref<1x16x2048xf32, #tpu.memory_space<hbm>>
    %dma_wait3A_243 = tpu.memref_squeeze %dma_wait3A_242 : memref<1x16x2048xf32, #tpu.memory_space<hbm>> -> memref<16x2048xf32, #tpu.memory_space<hbm>>
    %dma_wait3A_244 = arith.constant 0 : i32
    %dma_wait3A_245 = tpu.memref_slice %arg3[%select_n3A, %add3A_240, %dma_wait3A_244] : memref<16x512x2048xf32, #tpu.memory_space<hbm>> -> memref<1x16x2048xf32, #tpu.memory_space<hbm>>
    %dma_wait3A_246 = tpu.memref_squeeze %dma_wait3A_245 : memref<1x16x2048xf32, #tpu.memory_space<hbm>> -> memref<16x2048xf32, #tpu.memory_space<hbm>>
    tpu.wait_dma2 semaphore(%arg9 : memref<!tpu.dma_semaphore, #tpu.memory_space<semaphore_mem>>) src(%arg5 : memref<16x2048xf32, #tpu.memory_space<vmem>>) dst(%dma_wait3A_246 : memref<16x2048xf32, #tpu.memory_space<hbm>>)
    %add3A_247 = arith.constant 112 : i32
    %add3A_248 = arith.addi %mul3A_32, %add3A_247 : i32
    %dma_start3A_249 = arith.constant 0 : i32
    %dma_start3A_250 = tpu.memref_slice %arg2[%select_n3A, %add3A_248, %dma_start3A_249] : memref<16x512x2048xf32, #tpu.memory_space<hbm>> -> memref<1x16x2048xf32, #tpu.memory_space<hbm>>
    %dma_start3A_251 = tpu.memref_squeeze %dma_start3A_250 : memref<1x16x2048xf32, #tpu.memory_space<hbm>> -> memref<16x2048xf32, #tpu.memory_space<hbm>>
    %dma_start3A_252 = arith.constant 0 : i32
    %dma_start3A_253 = tpu.memref_slice %arg2[%select_n3A, %add3A_248, %dma_start3A_252] : memref<16x512x2048xf32, #tpu.memory_space<hbm>> -> memref<1x16x2048xf32, #tpu.memory_space<hbm>>
    %dma_start3A_254 = tpu.memref_squeeze %dma_start3A_253 : memref<1x16x2048xf32, #tpu.memory_space<hbm>> -> memref<16x2048xf32, #tpu.memory_space<hbm>>
    tpu.enqueue_dma source(%dma_start3A_254 : memref<16x2048xf32, #tpu.memory_space<hbm>>) target(%arg5 : memref<16x2048xf32, #tpu.memory_space<vmem>>) target_semaphore(%arg7 : memref<!tpu.dma_semaphore, #tpu.memory_space<semaphore_mem>>)
    %add3A_255 = arith.constant 112 : i32
    %add3A_256 = arith.addi %mul3A_32, %add3A_255 : i32
    %dma_wait3A_257 = arith.constant 0 : i32
    %dma_wait3A_258 = tpu.memref_slice %arg2[%select_n3A, %add3A_256, %dma_wait3A_257] : memref<16x512x2048xf32, #tpu.memory_space<hbm>> -> memref<1x16x2048xf32, #tpu.memory_space<hbm>>
    %dma_wait3A_259 = tpu.memref_squeeze %dma_wait3A_258 : memref<1x16x2048xf32, #tpu.memory_space<hbm>> -> memref<16x2048xf32, #tpu.memory_space<hbm>>
    %dma_wait3A_260 = arith.constant 0 : i32
    %dma_wait3A_261 = tpu.memref_slice %arg2[%select_n3A, %add3A_256, %dma_wait3A_260] : memref<16x512x2048xf32, #tpu.memory_space<hbm>> -> memref<1x16x2048xf32, #tpu.memory_space<hbm>>
    %dma_wait3A_262 = tpu.memref_squeeze %dma_wait3A_261 : memref<1x16x2048xf32, #tpu.memory_space<hbm>> -> memref<16x2048xf32, #tpu.memory_space<hbm>>
    tpu.wait_dma2 semaphore(%arg7 : memref<!tpu.dma_semaphore, #tpu.memory_space<semaphore_mem>>) src(%dma_wait3A_262 : memref<16x2048xf32, #tpu.memory_space<hbm>>) dst(%arg5 : memref<16x2048xf32, #tpu.memory_space<vmem>>)
    %add3A_263 = arith.constant 112 : i32
    %add3A_264 = arith.addi %mul3A_32, %add3A_263 : i32
    %dma_start3A_265 = arith.constant 0 : i32
    %dma_start3A_266 = tpu.memref_slice %arg3[%select_n3A, %add3A_264, %dma_start3A_265] : memref<16x512x2048xf32, #tpu.memory_space<hbm>> -> memref<1x16x2048xf32, #tpu.memory_space<hbm>>
    %dma_start3A_267 = tpu.memref_squeeze %dma_start3A_266 : memref<1x16x2048xf32, #tpu.memory_space<hbm>> -> memref<16x2048xf32, #tpu.memory_space<hbm>>
    %dma_start3A_268 = arith.constant 0 : i32
    %dma_start3A_269 = tpu.memref_slice %arg3[%select_n3A, %add3A_264, %dma_start3A_268] : memref<16x512x2048xf32, #tpu.memory_space<hbm>> -> memref<1x16x2048xf32, #tpu.memory_space<hbm>>
    %dma_start3A_270 = tpu.memref_squeeze %dma_start3A_269 : memref<1x16x2048xf32, #tpu.memory_space<hbm>> -> memref<16x2048xf32, #tpu.memory_space<hbm>>
    tpu.enqueue_dma source(%arg5 : memref<16x2048xf32, #tpu.memory_space<vmem>>) target(%dma_start3A_270 : memref<16x2048xf32, #tpu.memory_space<hbm>>) target_semaphore(%arg9 : memref<!tpu.dma_semaphore, #tpu.memory_space<semaphore_mem>>)
    %add3A_271 = arith.constant 96 : i32
    %add3A_272 = arith.addi %mul3A_32, %add3A_271 : i32
    %dma_wait3A_273 = arith.constant 0 : i32
    %dma_wait3A_274 = tpu.memref_slice %arg3[%select_n3A, %add3A_272, %dma_wait3A_273] : memref<16x512x2048xf32, #tpu.memory_space<hbm>> -> memref<1x16x2048xf32, #tpu.memory_space<hbm>>
    %dma_wait3A_275 = tpu.memref_squeeze %dma_wait3A_274 : memref<1x16x2048xf32, #tpu.memory_space<hbm>> -> memref<16x2048xf32, #tpu.memory_space<hbm>>
    %dma_wait3A_276 = arith.constant 0 : i32
    %dma_wait3A_277 = tpu.memref_slice %arg3[%select_n3A, %add3A_272, %dma_wait3A_276] : memref<16x512x2048xf32, #tpu.memory_space<hbm>> -> memref<1x16x2048xf32, #tpu.memory_space<hbm>>
    %dma_wait3A_278 = tpu.memref_squeeze %dma_wait3A_277 : memref<1x16x2048xf32, #tpu.memory_space<hbm>> -> memref<16x2048xf32, #tpu.memory_space<hbm>>
    tpu.wait_dma2 semaphore(%arg8 : memref<!tpu.dma_semaphore, #tpu.memory_space<semaphore_mem>>) src(%arg4 : memref<16x2048xf32, #tpu.memory_space<vmem>>) dst(%dma_wait3A_278 : memref<16x2048xf32, #tpu.memory_space<hbm>>)
    %add3A_279 = arith.constant 128 : i32
    %add3A_280 = arith.addi %mul3A_32, %add3A_279 : i32
    %dma_start3A_281 = arith.constant 0 : i32
    %dma_start3A_282 = tpu.memref_slice %arg2[%select_n3A, %add3A_280, %dma_start3A_281] : memref<16x512x2048xf32, #tpu.memory_space<hbm>> -> memref<1x16x2048xf32, #tpu.memory_space<hbm>>
    %dma_start3A_283 = tpu.memref_squeeze %dma_start3A_282 : memref<1x16x2048xf32, #tpu.memory_space<hbm>> -> memref<16x2048xf32, #tpu.memory_space<hbm>>
    %dma_start3A_284 = arith.constant 0 : i32
    %dma_start3A_285 = tpu.memref_slice %arg2[%select_n3A, %add3A_280, %dma_start3A_284] : memref<16x512x2048xf32, #tpu.memory_space<hbm>> -> memref<1x16x2048xf32, #tpu.memory_space<hbm>>
    %dma_start3A_286 = tpu.memref_squeeze %dma_start3A_285 : memref<1x16x2048xf32, #tpu.memory_space<hbm>> -> memref<16x2048xf32, #tpu.memory_space<hbm>>
    tpu.enqueue_dma source(%dma_start3A_286 : memref<16x2048xf32, #tpu.memory_space<hbm>>) target(%arg4 : memref<16x2048xf32, #tpu.memory_space<vmem>>) target_semaphore(%arg6 : memref<!tpu.dma_semaphore, #tpu.memory_space<semaphore_mem>>)
    %add3A_287 = arith.constant 128 : i32
    %add3A_288 = arith.addi %mul3A_32, %add3A_287 : i32
    %dma_wait3A_289 = arith.constant 0 : i32
    %dma_wait3A_290 = tpu.memref_slice %arg2[%select_n3A, %add3A_288, %dma_wait3A_289] : memref<16x512x2048xf32, #tpu.memory_space<hbm>> -> memref<1x16x2048xf32, #tpu.memory_space<hbm>>
    %dma_wait3A_291 = tpu.memref_squeeze %dma_wait3A_290 : memref<1x16x2048xf32, #tpu.memory_space<hbm>> -> memref<16x2048xf32, #tpu.memory_space<hbm>>
    %dma_wait3A_292 = arith.constant 0 : i32
    %dma_wait3A_293 = tpu.memref_slice %arg2[%select_n3A, %add3A_288, %dma_wait3A_292] : memref<16x512x2048xf32, #tpu.memory_space<hbm>> -> memref<1x16x2048xf32, #tpu.memory_space<hbm>>
    %dma_wait3A_294 = tpu.memref_squeeze %dma_wait3A_293 : memref<1x16x2048xf32, #tpu.memory_space<hbm>> -> memref<16x2048xf32, #tpu.memory_space<hbm>>
    tpu.wait_dma2 semaphore(%arg6 : memref<!tpu.dma_semaphore, #tpu.memory_space<semaphore_mem>>) src(%dma_wait3A_294 : memref<16x2048xf32, #tpu.memory_space<hbm>>) dst(%arg4 : memref<16x2048xf32, #tpu.memory_space<vmem>>)
    %add3A_295 = arith.constant 128 : i32
    %add3A_296 = arith.addi %mul3A_32, %add3A_295 : i32
    %dma_start3A_297 = arith.constant 0 : i32
    %dma_start3A_298 = tpu.memref_slice %arg3[%select_n3A, %add3A_296, %dma_start3A_297] : memref<16x512x2048xf32, #tpu.memory_space<hbm>> -> memref<1x16x2048xf32, #tpu.memory_space<hbm>>
    %dma_start3A_299 = tpu.memref_squeeze %dma_start3A_298 : memref<1x16x2048xf32, #tpu.memory_space<hbm>> -> memref<16x2048xf32, #tpu.memory_space<hbm>>
    %dma_start3A_300 = arith.constant 0 : i32
    %dma_start3A_301 = tpu.memref_slice %arg3[%select_n3A, %add3A_296, %dma_start3A_300] : memref<16x512x2048xf32, #tpu.memory_space<hbm>> -> memref<1x16x2048xf32, #tpu.memory_space<hbm>>
    %dma_start3A_302 = tpu.memref_squeeze %dma_start3A_301 : memref<1x16x2048xf32, #tpu.memory_space<hbm>> -> memref<16x2048xf32, #tpu.memory_space<hbm>>
    tpu.enqueue_dma source(%arg4 : memref<16x2048xf32, #tpu.memory_space<vmem>>) target(%dma_start3A_302 : memref<16x2048xf32, #tpu.memory_space<hbm>>) target_semaphore(%arg8 : memref<!tpu.dma_semaphore, #tpu.memory_space<semaphore_mem>>)
    %add3A_303 = arith.constant 112 : i32
    %add3A_304 = arith.addi %mul3A_32, %add3A_303 : i32
    %dma_wait3A_305 = arith.constant 0 : i32
    %dma_wait3A_306 = tpu.memref_slice %arg3[%select_n3A, %add3A_304, %dma_wait3A_305] : memref<16x512x2048xf32, #tpu.memory_space<hbm>> -> memref<1x16x2048xf32, #tpu.memory_space<hbm>>
    %dma_wait3A_307 = tpu.memref_squeeze %dma_wait3A_306 : memref<1x16x2048xf32, #tpu.memory_space<hbm>> -> memref<16x2048xf32, #tpu.memory_space<hbm>>
    %dma_wait3A_308 = arith.constant 0 : i32
    %dma_wait3A_309 = tpu.memref_slice %arg3[%select_n3A, %add3A_304, %dma_wait3A_308] : memref<16x512x2048xf32, #tpu.memory_space<hbm>> -> memref<1x16x2048xf32, #tpu.memory_space<hbm>>
    %dma_wait3A_310 = tpu.memref_squeeze %dma_wait3A_309 : memref<1x16x2048xf32, #tpu.memory_space<hbm>> -> memref<16x2048xf32, #tpu.memory_space<hbm>>
    tpu.wait_dma2 semaphore(%arg9 : memref<!tpu.dma_semaphore, #tpu.memory_space<semaphore_mem>>) src(%arg5 : memref<16x2048xf32, #tpu.memory_space<vmem>>) dst(%dma_wait3A_310 : memref<16x2048xf32, #tpu.memory_space<hbm>>)
    %add3A_311 = arith.constant 144 : i32
    %add3A_312 = arith.addi %mul3A_32, %add3A_311 : i32
    %dma_start3A_313 = arith.constant 0 : i32
    %dma_start3A_314 = tpu.memref_slice %arg2[%select_n3A, %add3A_312, %dma_start3A_313] : memref<16x512x2048xf32, #tpu.memory_space<hbm>> -> memref<1x16x2048xf32, #tpu.memory_space<hbm>>
    %dma_start3A_315 = tpu.memref_squeeze %dma_start3A_314 : memref<1x16x2048xf32, #tpu.memory_space<hbm>> -> memref<16x2048xf32, #tpu.memory_space<hbm>>
    %dma_start3A_316 = arith.constant 0 : i32
    %dma_start3A_317 = tpu.memref_slice %arg2[%select_n3A, %add3A_312, %dma_start3A_316] : memref<16x512x2048xf32, #tpu.memory_space<hbm>> -> memref<1x16x2048xf32, #tpu.memory_space<hbm>>
    %dma_start3A_318 = tpu.memref_squeeze %dma_start3A_317 : memref<1x16x2048xf32, #tpu.memory_space<hbm>> -> memref<16x2048xf32, #tpu.memory_space<hbm>>
    tpu.enqueue_dma source(%dma_start3A_318 : memref<16x2048xf32, #tpu.memory_space<hbm>>) target(%arg5 : memref<16x2048xf32, #tpu.memory_space<vmem>>) target_semaphore(%arg7 : memref<!tpu.dma_semaphore, #tpu.memory_space<semaphore_mem>>)
    %add3A_319 = arith.constant 144 : i32
    %add3A_320 = arith.addi %mul3A_32, %add3A_319 : i32
    %dma_wait3A_321 = arith.constant 0 : i32
    %dma_wait3A_322 = tpu.memref_slice %arg2[%select_n3A, %add3A_320, %dma_wait3A_321] : memref<16x512x2048xf32, #tpu.memory_space<hbm>> -> memref<1x16x2048xf32, #tpu.memory_space<hbm>>
    %dma_wait3A_323 = tpu.memref_squeeze %dma_wait3A_322 : memref<1x16x2048xf32, #tpu.memory_space<hbm>> -> memref<16x2048xf32, #tpu.memory_space<hbm>>
    %dma_wait3A_324 = arith.constant 0 : i32
    %dma_wait3A_325 = tpu.memref_slice %arg2[%select_n3A, %add3A_320, %dma_wait3A_324] : memref<16x512x2048xf32, #tpu.memory_space<hbm>> -> memref<1x16x2048xf32, #tpu.memory_space<hbm>>
    %dma_wait3A_326 = tpu.memref_squeeze %dma_wait3A_325 : memref<1x16x2048xf32, #tpu.memory_space<hbm>> -> memref<16x2048xf32, #tpu.memory_space<hbm>>
    tpu.wait_dma2 semaphore(%arg7 : memref<!tpu.dma_semaphore, #tpu.memory_space<semaphore_mem>>) src(%dma_wait3A_326 : memref<16x2048xf32, #tpu.memory_space<hbm>>) dst(%arg5 : memref<16x2048xf32, #tpu.memory_space<vmem>>)
    %add3A_327 = arith.constant 144 : i32
    %add3A_328 = arith.addi %mul3A_32, %add3A_327 : i32
    %dma_start3A_329 = arith.constant 0 : i32
    %dma_start3A_330 = tpu.memref_slice %arg3[%select_n3A, %add3A_328, %dma_start3A_329] : memref<16x512x2048xf32, #tpu.memory_space<hbm>> -> memref<1x16x2048xf32, #tpu.memory_space<hbm>>
    %dma_start3A_331 = tpu.memref_squeeze %dma_start3A_330 : memref<1x16x2048xf32, #tpu.memory_space<hbm>> -> memref<16x2048xf32, #tpu.memory_space<hbm>>
    %dma_start3A_332 = arith.constant 0 : i32
    %dma_start3A_333 = tpu.memref_slice %arg3[%select_n3A, %add3A_328, %dma_start3A_332] : memref<16x512x2048xf32, #tpu.memory_space<hbm>> -> memref<1x16x2048xf32, #tpu.memory_space<hbm>>
    %dma_start3A_334 = tpu.memref_squeeze %dma_start3A_333 : memref<1x16x2048xf32, #tpu.memory_space<hbm>> -> memref<16x2048xf32, #tpu.memory_space<hbm>>
    tpu.enqueue_dma source(%arg5 : memref<16x2048xf32, #tpu.memory_space<vmem>>) target(%dma_start3A_334 : memref<16x2048xf32, #tpu.memory_space<hbm>>) target_semaphore(%arg9 : memref<!tpu.dma_semaphore, #tpu.memory_space<semaphore_mem>>)
    %add3A_335 = arith.constant 128 : i32
    %add3A_336 = arith.addi %mul3A_32, %add3A_335 : i32
    %dma_wait3A_337 = arith.constant 0 : i32
    %dma_wait3A_338 = tpu.memref_slice %arg3[%select_n3A, %add3A_336, %dma_wait3A_337] : memref<16x512x2048xf32, #tpu.memory_space<hbm>> -> memref<1x16x2048xf32, #tpu.memory_space<hbm>>
    %dma_wait3A_339 = tpu.memref_squeeze %dma_wait3A_338 : memref<1x16x2048xf32, #tpu.memory_space<hbm>> -> memref<16x2048xf32, #tpu.memory_space<hbm>>
    %dma_wait3A_340 = arith.constant 0 : i32
    %dma_wait3A_341 = tpu.memref_slice %arg3[%select_n3A, %add3A_336, %dma_wait3A_340] : memref<16x512x2048xf32, #tpu.memory_space<hbm>> -> memref<1x16x2048xf32, #tpu.memory_space<hbm>>
    %dma_wait3A_342 = tpu.memref_squeeze %dma_wait3A_341 : memref<1x16x2048xf32, #tpu.memory_space<hbm>> -> memref<16x2048xf32, #tpu.memory_space<hbm>>
    tpu.wait_dma2 semaphore(%arg8 : memref<!tpu.dma_semaphore, #tpu.memory_space<semaphore_mem>>) src(%arg4 : memref<16x2048xf32, #tpu.memory_space<vmem>>) dst(%dma_wait3A_342 : memref<16x2048xf32, #tpu.memory_space<hbm>>)
    %add3A_343 = arith.constant 160 : i32
    %add3A_344 = arith.addi %mul3A_32, %add3A_343 : i32
    %dma_start3A_345 = arith.constant 0 : i32
    %dma_start3A_346 = tpu.memref_slice %arg2[%select_n3A, %add3A_344, %dma_start3A_345] : memref<16x512x2048xf32, #tpu.memory_space<hbm>> -> memref<1x16x2048xf32, #tpu.memory_space<hbm>>
    %dma_start3A_347 = tpu.memref_squeeze %dma_start3A_346 : memref<1x16x2048xf32, #tpu.memory_space<hbm>> -> memref<16x2048xf32, #tpu.memory_space<hbm>>
    %dma_start3A_348 = arith.constant 0 : i32
    %dma_start3A_349 = tpu.memref_slice %arg2[%select_n3A, %add3A_344, %dma_start3A_348] : memref<16x512x2048xf32, #tpu.memory_space<hbm>> -> memref<1x16x2048xf32, #tpu.memory_space<hbm>>
    %dma_start3A_350 = tpu.memref_squeeze %dma_start3A_349 : memref<1x16x2048xf32, #tpu.memory_space<hbm>> -> memref<16x2048xf32, #tpu.memory_space<hbm>>
    tpu.enqueue_dma source(%dma_start3A_350 : memref<16x2048xf32, #tpu.memory_space<hbm>>) target(%arg4 : memref<16x2048xf32, #tpu.memory_space<vmem>>) target_semaphore(%arg6 : memref<!tpu.dma_semaphore, #tpu.memory_space<semaphore_mem>>)
    %add3A_351 = arith.constant 160 : i32
    %add3A_352 = arith.addi %mul3A_32, %add3A_351 : i32
    %dma_wait3A_353 = arith.constant 0 : i32
    %dma_wait3A_354 = tpu.memref_slice %arg2[%select_n3A, %add3A_352, %dma_wait3A_353] : memref<16x512x2048xf32, #tpu.memory_space<hbm>> -> memref<1x16x2048xf32, #tpu.memory_space<hbm>>
    %dma_wait3A_355 = tpu.memref_squeeze %dma_wait3A_354 : memref<1x16x2048xf32, #tpu.memory_space<hbm>> -> memref<16x2048xf32, #tpu.memory_space<hbm>>
    %dma_wait3A_356 = arith.constant 0 : i32
    %dma_wait3A_357 = tpu.memref_slice %arg2[%select_n3A, %add3A_352, %dma_wait3A_356] : memref<16x512x2048xf32, #tpu.memory_space<hbm>> -> memref<1x16x2048xf32, #tpu.memory_space<hbm>>
    %dma_wait3A_358 = tpu.memref_squeeze %dma_wait3A_357 : memref<1x16x2048xf32, #tpu.memory_space<hbm>> -> memref<16x2048xf32, #tpu.memory_space<hbm>>
    tpu.wait_dma2 semaphore(%arg6 : memref<!tpu.dma_semaphore, #tpu.memory_space<semaphore_mem>>) src(%dma_wait3A_358 : memref<16x2048xf32, #tpu.memory_space<hbm>>) dst(%arg4 : memref<16x2048xf32, #tpu.memory_space<vmem>>)
    %add3A_359 = arith.constant 160 : i32
    %add3A_360 = arith.addi %mul3A_32, %add3A_359 : i32
    %dma_start3A_361 = arith.constant 0 : i32
    %dma_start3A_362 = tpu.memref_slice %arg3[%select_n3A, %add3A_360, %dma_start3A_361] : memref<16x512x2048xf32, #tpu.memory_space<hbm>> -> memref<1x16x2048xf32, #tpu.memory_space<hbm>>
    %dma_start3A_363 = tpu.memref_squeeze %dma_start3A_362 : memref<1x16x2048xf32, #tpu.memory_space<hbm>> -> memref<16x2048xf32, #tpu.memory_space<hbm>>
    %dma_start3A_364 = arith.constant 0 : i32
    %dma_start3A_365 = tpu.memref_slice %arg3[%select_n3A, %add3A_360, %dma_start3A_364] : memref<16x512x2048xf32, #tpu.memory_space<hbm>> -> memref<1x16x2048xf32, #tpu.memory_space<hbm>>
    %dma_start3A_366 = tpu.memref_squeeze %dma_start3A_365 : memref<1x16x2048xf32, #tpu.memory_space<hbm>> -> memref<16x2048xf32, #tpu.memory_space<hbm>>
    tpu.enqueue_dma source(%arg4 : memref<16x2048xf32, #tpu.memory_space<vmem>>) target(%dma_start3A_366 : memref<16x2048xf32, #tpu.memory_space<hbm>>) target_semaphore(%arg8 : memref<!tpu.dma_semaphore, #tpu.memory_space<semaphore_mem>>)
    %add3A_367 = arith.constant 144 : i32
    %add3A_368 = arith.addi %mul3A_32, %add3A_367 : i32
    %dma_wait3A_369 = arith.constant 0 : i32
    %dma_wait3A_370 = tpu.memref_slice %arg3[%select_n3A, %add3A_368, %dma_wait3A_369] : memref<16x512x2048xf32, #tpu.memory_space<hbm>> -> memref<1x16x2048xf32, #tpu.memory_space<hbm>>
    %dma_wait3A_371 = tpu.memref_squeeze %dma_wait3A_370 : memref<1x16x2048xf32, #tpu.memory_space<hbm>> -> memref<16x2048xf32, #tpu.memory_space<hbm>>
    %dma_wait3A_372 = arith.constant 0 : i32
    %dma_wait3A_373 = tpu.memref_slice %arg3[%select_n3A, %add3A_368, %dma_wait3A_372] : memref<16x512x2048xf32, #tpu.memory_space<hbm>> -> memref<1x16x2048xf32, #tpu.memory_space<hbm>>
    %dma_wait3A_374 = tpu.memref_squeeze %dma_wait3A_373 : memref<1x16x2048xf32, #tpu.memory_space<hbm>> -> memref<16x2048xf32, #tpu.memory_space<hbm>>
    tpu.wait_dma2 semaphore(%arg9 : memref<!tpu.dma_semaphore, #tpu.memory_space<semaphore_mem>>) src(%arg5 : memref<16x2048xf32, #tpu.memory_space<vmem>>) dst(%dma_wait3A_374 : memref<16x2048xf32, #tpu.memory_space<hbm>>)
    %add3A_375 = arith.constant 176 : i32
    %add3A_376 = arith.addi %mul3A_32, %add3A_375 : i32
    %dma_start3A_377 = arith.constant 0 : i32
    %dma_start3A_378 = tpu.memref_slice %arg2[%select_n3A, %add3A_376, %dma_start3A_377] : memref<16x512x2048xf32, #tpu.memory_space<hbm>> -> memref<1x16x2048xf32, #tpu.memory_space<hbm>>
    %dma_start3A_379 = tpu.memref_squeeze %dma_start3A_378 : memref<1x16x2048xf32, #tpu.memory_space<hbm>> -> memref<16x2048xf32, #tpu.memory_space<hbm>>
    %dma_start3A_380 = arith.constant 0 : i32
    %dma_start3A_381 = tpu.memref_slice %arg2[%select_n3A, %add3A_376, %dma_start3A_380] : memref<16x512x2048xf32, #tpu.memory_space<hbm>> -> memref<1x16x2048xf32, #tpu.memory_space<hbm>>
    %dma_start3A_382 = tpu.memref_squeeze %dma_start3A_381 : memref<1x16x2048xf32, #tpu.memory_space<hbm>> -> memref<16x2048xf32, #tpu.memory_space<hbm>>
    tpu.enqueue_dma source(%dma_start3A_382 : memref<16x2048xf32, #tpu.memory_space<hbm>>) target(%arg5 : memref<16x2048xf32, #tpu.memory_space<vmem>>) target_semaphore(%arg7 : memref<!tpu.dma_semaphore, #tpu.memory_space<semaphore_mem>>)
    %add3A_383 = arith.constant 176 : i32
    %add3A_384 = arith.addi %mul3A_32, %add3A_383 : i32
    %dma_wait3A_385 = arith.constant 0 : i32
    %dma_wait3A_386 = tpu.memref_slice %arg2[%select_n3A, %add3A_384, %dma_wait3A_385] : memref<16x512x2048xf32, #tpu.memory_space<hbm>> -> memref<1x16x2048xf32, #tpu.memory_space<hbm>>
    %dma_wait3A_387 = tpu.memref_squeeze %dma_wait3A_386 : memref<1x16x2048xf32, #tpu.memory_space<hbm>> -> memref<16x2048xf32, #tpu.memory_space<hbm>>
    %dma_wait3A_388 = arith.constant 0 : i32
    %dma_wait3A_389 = tpu.memref_slice %arg2[%select_n3A, %add3A_384, %dma_wait3A_388] : memref<16x512x2048xf32, #tpu.memory_space<hbm>> -> memref<1x16x2048xf32, #tpu.memory_space<hbm>>
    %dma_wait3A_390 = tpu.memref_squeeze %dma_wait3A_389 : memref<1x16x2048xf32, #tpu.memory_space<hbm>> -> memref<16x2048xf32, #tpu.memory_space<hbm>>
    tpu.wait_dma2 semaphore(%arg7 : memref<!tpu.dma_semaphore, #tpu.memory_space<semaphore_mem>>) src(%dma_wait3A_390 : memref<16x2048xf32, #tpu.memory_space<hbm>>) dst(%arg5 : memref<16x2048xf32, #tpu.memory_space<vmem>>)
    %add3A_391 = arith.constant 176 : i32
    %add3A_392 = arith.addi %mul3A_32, %add3A_391 : i32
    %dma_start3A_393 = arith.constant 0 : i32
    %dma_start3A_394 = tpu.memref_slice %arg3[%select_n3A, %add3A_392, %dma_start3A_393] : memref<16x512x2048xf32, #tpu.memory_space<hbm>> -> memref<1x16x2048xf32, #tpu.memory_space<hbm>>
    %dma_start3A_395 = tpu.memref_squeeze %dma_start3A_394 : memref<1x16x2048xf32, #tpu.memory_space<hbm>> -> memref<16x2048xf32, #tpu.memory_space<hbm>>
    %dma_start3A_396 = arith.constant 0 : i32
    %dma_start3A_397 = tpu.memref_slice %arg3[%select_n3A, %add3A_392, %dma_start3A_396] : memref<16x512x2048xf32, #tpu.memory_space<hbm>> -> memref<1x16x2048xf32, #tpu.memory_space<hbm>>
    %dma_start3A_398 = tpu.memref_squeeze %dma_start3A_397 : memref<1x16x2048xf32, #tpu.memory_space<hbm>> -> memref<16x2048xf32, #tpu.memory_space<hbm>>
    tpu.enqueue_dma source(%arg5 : memref<16x2048xf32, #tpu.memory_space<vmem>>) target(%dma_start3A_398 : memref<16x2048xf32, #tpu.memory_space<hbm>>) target_semaphore(%arg9 : memref<!tpu.dma_semaphore, #tpu.memory_space<semaphore_mem>>)
    %add3A_399 = arith.constant 160 : i32
    %add3A_400 = arith.addi %mul3A_32, %add3A_399 : i32
    %dma_wait3A_401 = arith.constant 0 : i32
    %dma_wait3A_402 = tpu.memref_slice %arg3[%select_n3A, %add3A_400, %dma_wait3A_401] : memref<16x512x2048xf32, #tpu.memory_space<hbm>> -> memref<1x16x2048xf32, #tpu.memory_space<hbm>>
    %dma_wait3A_403 = tpu.memref_squeeze %dma_wait3A_402 : memref<1x16x2048xf32, #tpu.memory_space<hbm>> -> memref<16x2048xf32, #tpu.memory_space<hbm>>
    %dma_wait3A_404 = arith.constant 0 : i32
    %dma_wait3A_405 = tpu.memref_slice %arg3[%select_n3A, %add3A_400, %dma_wait3A_404] : memref<16x512x2048xf32, #tpu.memory_space<hbm>> -> memref<1x16x2048xf32, #tpu.memory_space<hbm>>
    %dma_wait3A_406 = tpu.memref_squeeze %dma_wait3A_405 : memref<1x16x2048xf32, #tpu.memory_space<hbm>> -> memref<16x2048xf32, #tpu.memory_space<hbm>>
    tpu.wait_dma2 semaphore(%arg8 : memref<!tpu.dma_semaphore, #tpu.memory_space<semaphore_mem>>) src(%arg4 : memref<16x2048xf32, #tpu.memory_space<vmem>>) dst(%dma_wait3A_406 : memref<16x2048xf32, #tpu.memory_space<hbm>>)
    %add3A_407 = arith.constant 192 : i32
    %add3A_408 = arith.addi %mul3A_32, %add3A_407 : i32
    %dma_start3A_409 = arith.constant 0 : i32
    %dma_start3A_410 = tpu.memref_slice %arg2[%select_n3A, %add3A_408, %dma_start3A_409] : memref<16x512x2048xf32, #tpu.memory_space<hbm>> -> memref<1x16x2048xf32, #tpu.memory_space<hbm>>
    %dma_start3A_411 = tpu.memref_squeeze %dma_start3A_410 : memref<1x16x2048xf32, #tpu.memory_space<hbm>> -> memref<16x2048xf32, #tpu.memory_space<hbm>>
    %dma_start3A_412 = arith.constant 0 : i32
    %dma_start3A_413 = tpu.memref_slice %arg2[%select_n3A, %add3A_408, %dma_start3A_412] : memref<16x512x2048xf32, #tpu.memory_space<hbm>> -> memref<1x16x2048xf32, #tpu.memory_space<hbm>>
    %dma_start3A_414 = tpu.memref_squeeze %dma_start3A_413 : memref<1x16x2048xf32, #tpu.memory_space<hbm>> -> memref<16x2048xf32, #tpu.memory_space<hbm>>
    tpu.enqueue_dma source(%dma_start3A_414 : memref<16x2048xf32, #tpu.memory_space<hbm>>) target(%arg4 : memref<16x2048xf32, #tpu.memory_space<vmem>>) target_semaphore(%arg6 : memref<!tpu.dma_semaphore, #tpu.memory_space<semaphore_mem>>)
    %add3A_415 = arith.constant 192 : i32
    %add3A_416 = arith.addi %mul3A_32, %add3A_415 : i32
    %dma_wait3A_417 = arith.constant 0 : i32
    %dma_wait3A_418 = tpu.memref_slice %arg2[%select_n3A, %add3A_416, %dma_wait3A_417] : memref<16x512x2048xf32, #tpu.memory_space<hbm>> -> memref<1x16x2048xf32, #tpu.memory_space<hbm>>
    %dma_wait3A_419 = tpu.memref_squeeze %dma_wait3A_418 : memref<1x16x2048xf32, #tpu.memory_space<hbm>> -> memref<16x2048xf32, #tpu.memory_space<hbm>>
    %dma_wait3A_420 = arith.constant 0 : i32
    %dma_wait3A_421 = tpu.memref_slice %arg2[%select_n3A, %add3A_416, %dma_wait3A_420] : memref<16x512x2048xf32, #tpu.memory_space<hbm>> -> memref<1x16x2048xf32, #tpu.memory_space<hbm>>
    %dma_wait3A_422 = tpu.memref_squeeze %dma_wait3A_421 : memref<1x16x2048xf32, #tpu.memory_space<hbm>> -> memref<16x2048xf32, #tpu.memory_space<hbm>>
    tpu.wait_dma2 semaphore(%arg6 : memref<!tpu.dma_semaphore, #tpu.memory_space<semaphore_mem>>) src(%dma_wait3A_422 : memref<16x2048xf32, #tpu.memory_space<hbm>>) dst(%arg4 : memref<16x2048xf32, #tpu.memory_space<vmem>>)
    %add3A_423 = arith.constant 192 : i32
    %add3A_424 = arith.addi %mul3A_32, %add3A_423 : i32
    %dma_start3A_425 = arith.constant 0 : i32
    %dma_start3A_426 = tpu.memref_slice %arg3[%select_n3A, %add3A_424, %dma_start3A_425] : memref<16x512x2048xf32, #tpu.memory_space<hbm>> -> memref<1x16x2048xf32, #tpu.memory_space<hbm>>
    %dma_start3A_427 = tpu.memref_squeeze %dma_start3A_426 : memref<1x16x2048xf32, #tpu.memory_space<hbm>> -> memref<16x2048xf32, #tpu.memory_space<hbm>>
    %dma_start3A_428 = arith.constant 0 : i32
    %dma_start3A_429 = tpu.memref_slice %arg3[%select_n3A, %add3A_424, %dma_start3A_428] : memref<16x512x2048xf32, #tpu.memory_space<hbm>> -> memref<1x16x2048xf32, #tpu.memory_space<hbm>>
    %dma_start3A_430 = tpu.memref_squeeze %dma_start3A_429 : memref<1x16x2048xf32, #tpu.memory_space<hbm>> -> memref<16x2048xf32, #tpu.memory_space<hbm>>
    tpu.enqueue_dma source(%arg4 : memref<16x2048xf32, #tpu.memory_space<vmem>>) target(%dma_start3A_430 : memref<16x2048xf32, #tpu.memory_space<hbm>>) target_semaphore(%arg8 : memref<!tpu.dma_semaphore, #tpu.memory_space<semaphore_mem>>)
    %add3A_431 = arith.constant 176 : i32
    %add3A_432 = arith.addi %mul3A_32, %add3A_431 : i32
    %dma_wait3A_433 = arith.constant 0 : i32
    %dma_wait3A_434 = tpu.memref_slice %arg3[%select_n3A, %add3A_432, %dma_wait3A_433] : memref<16x512x2048xf32, #tpu.memory_space<hbm>> -> memref<1x16x2048xf32, #tpu.memory_space<hbm>>
    %dma_wait3A_435 = tpu.memref_squeeze %dma_wait3A_434 : memref<1x16x2048xf32, #tpu.memory_space<hbm>> -> memref<16x2048xf32, #tpu.memory_space<hbm>>
    %dma_wait3A_436 = arith.constant 0 : i32
    %dma_wait3A_437 = tpu.memref_slice %arg3[%select_n3A, %add3A_432, %dma_wait3A_436] : memref<16x512x2048xf32, #tpu.memory_space<hbm>> -> memref<1x16x2048xf32, #tpu.memory_space<hbm>>
    %dma_wait3A_438 = tpu.memref_squeeze %dma_wait3A_437 : memref<1x16x2048xf32, #tpu.memory_space<hbm>> -> memref<16x2048xf32, #tpu.memory_space<hbm>>
    tpu.wait_dma2 semaphore(%arg9 : memref<!tpu.dma_semaphore, #tpu.memory_space<semaphore_mem>>) src(%arg5 : memref<16x2048xf32, #tpu.memory_space<vmem>>) dst(%dma_wait3A_438 : memref<16x2048xf32, #tpu.memory_space<hbm>>)
    %add3A_439 = arith.constant 208 : i32
    %add3A_440 = arith.addi %mul3A_32, %add3A_439 : i32
    %dma_start3A_441 = arith.constant 0 : i32
    %dma_start3A_442 = tpu.memref_slice %arg2[%select_n3A, %add3A_440, %dma_start3A_441] : memref<16x512x2048xf32, #tpu.memory_space<hbm>> -> memref<1x16x2048xf32, #tpu.memory_space<hbm>>
    %dma_start3A_443 = tpu.memref_squeeze %dma_start3A_442 : memref<1x16x2048xf32, #tpu.memory_space<hbm>> -> memref<16x2048xf32, #tpu.memory_space<hbm>>
    %dma_start3A_444 = arith.constant 0 : i32
    %dma_start3A_445 = tpu.memref_slice %arg2[%select_n3A, %add3A_440, %dma_start3A_444] : memref<16x512x2048xf32, #tpu.memory_space<hbm>> -> memref<1x16x2048xf32, #tpu.memory_space<hbm>>
    %dma_start3A_446 = tpu.memref_squeeze %dma_start3A_445 : memref<1x16x2048xf32, #tpu.memory_space<hbm>> -> memref<16x2048xf32, #tpu.memory_space<hbm>>
    tpu.enqueue_dma source(%dma_start3A_446 : memref<16x2048xf32, #tpu.memory_space<hbm>>) target(%arg5 : memref<16x2048xf32, #tpu.memory_space<vmem>>) target_semaphore(%arg7 : memref<!tpu.dma_semaphore, #tpu.memory_space<semaphore_mem>>)
    %add3A_447 = arith.constant 208 : i32
    %add3A_448 = arith.addi %mul3A_32, %add3A_447 : i32
    %dma_wait3A_449 = arith.constant 0 : i32
    %dma_wait3A_450 = tpu.memref_slice %arg2[%select_n3A, %add3A_448, %dma_wait3A_449] : memref<16x512x2048xf32, #tpu.memory_space<hbm>> -> memref<1x16x2048xf32, #tpu.memory_space<hbm>>
    %dma_wait3A_451 = tpu.memref_squeeze %dma_wait3A_450 : memref<1x16x2048xf32, #tpu.memory_space<hbm>> -> memref<16x2048xf32, #tpu.memory_space<hbm>>
    %dma_wait3A_452 = arith.constant 0 : i32
    %dma_wait3A_453 = tpu.memref_slice %arg2[%select_n3A, %add3A_448, %dma_wait3A_452] : memref<16x512x2048xf32, #tpu.memory_space<hbm>> -> memref<1x16x2048xf32, #tpu.memory_space<hbm>>
    %dma_wait3A_454 = tpu.memref_squeeze %dma_wait3A_453 : memref<1x16x2048xf32, #tpu.memory_space<hbm>> -> memref<16x2048xf32, #tpu.memory_space<hbm>>
    tpu.wait_dma2 semaphore(%arg7 : memref<!tpu.dma_semaphore, #tpu.memory_space<semaphore_mem>>) src(%dma_wait3A_454 : memref<16x2048xf32, #tpu.memory_space<hbm>>) dst(%arg5 : memref<16x2048xf32, #tpu.memory_space<vmem>>)
    %add3A_455 = arith.constant 208 : i32
    %add3A_456 = arith.addi %mul3A_32, %add3A_455 : i32
    %dma_start3A_457 = arith.constant 0 : i32
    %dma_start3A_458 = tpu.memref_slice %arg3[%select_n3A, %add3A_456, %dma_start3A_457] : memref<16x512x2048xf32, #tpu.memory_space<hbm>> -> memref<1x16x2048xf32, #tpu.memory_space<hbm>>
    %dma_start3A_459 = tpu.memref_squeeze %dma_start3A_458 : memref<1x16x2048xf32, #tpu.memory_space<hbm>> -> memref<16x2048xf32, #tpu.memory_space<hbm>>
    %dma_start3A_460 = arith.constant 0 : i32
    %dma_start3A_461 = tpu.memref_slice %arg3[%select_n3A, %add3A_456, %dma_start3A_460] : memref<16x512x2048xf32, #tpu.memory_space<hbm>> -> memref<1x16x2048xf32, #tpu.memory_space<hbm>>
    %dma_start3A_462 = tpu.memref_squeeze %dma_start3A_461 : memref<1x16x2048xf32, #tpu.memory_space<hbm>> -> memref<16x2048xf32, #tpu.memory_space<hbm>>
    tpu.enqueue_dma source(%arg5 : memref<16x2048xf32, #tpu.memory_space<vmem>>) target(%dma_start3A_462 : memref<16x2048xf32, #tpu.memory_space<hbm>>) target_semaphore(%arg9 : memref<!tpu.dma_semaphore, #tpu.memory_space<semaphore_mem>>)
    %add3A_463 = arith.constant 192 : i32
    %add3A_464 = arith.addi %mul3A_32, %add3A_463 : i32
    %dma_wait3A_465 = arith.constant 0 : i32
    %dma_wait3A_466 = tpu.memref_slice %arg3[%select_n3A, %add3A_464, %dma_wait3A_465] : memref<16x512x2048xf32, #tpu.memory_space<hbm>> -> memref<1x16x2048xf32, #tpu.memory_space<hbm>>
    %dma_wait3A_467 = tpu.memref_squeeze %dma_wait3A_466 : memref<1x16x2048xf32, #tpu.memory_space<hbm>> -> memref<16x2048xf32, #tpu.memory_space<hbm>>
    %dma_wait3A_468 = arith.constant 0 : i32
    %dma_wait3A_469 = tpu.memref_slice %arg3[%select_n3A, %add3A_464, %dma_wait3A_468] : memref<16x512x2048xf32, #tpu.memory_space<hbm>> -> memref<1x16x2048xf32, #tpu.memory_space<hbm>>
    %dma_wait3A_470 = tpu.memref_squeeze %dma_wait3A_469 : memref<1x16x2048xf32, #tpu.memory_space<hbm>> -> memref<16x2048xf32, #tpu.memory_space<hbm>>
    tpu.wait_dma2 semaphore(%arg8 : memref<!tpu.dma_semaphore, #tpu.memory_space<semaphore_mem>>) src(%arg4 : memref<16x2048xf32, #tpu.memory_space<vmem>>) dst(%dma_wait3A_470 : memref<16x2048xf32, #tpu.memory_space<hbm>>)
    %add3A_471 = arith.constant 224 : i32
    %add3A_472 = arith.addi %mul3A_32, %add3A_471 : i32
    %dma_start3A_473 = arith.constant 0 : i32
    %dma_start3A_474 = tpu.memref_slice %arg2[%select_n3A, %add3A_472, %dma_start3A_473] : memref<16x512x2048xf32, #tpu.memory_space<hbm>> -> memref<1x16x2048xf32, #tpu.memory_space<hbm>>
    %dma_start3A_475 = tpu.memref_squeeze %dma_start3A_474 : memref<1x16x2048xf32, #tpu.memory_space<hbm>> -> memref<16x2048xf32, #tpu.memory_space<hbm>>
    %dma_start3A_476 = arith.constant 0 : i32
    %dma_start3A_477 = tpu.memref_slice %arg2[%select_n3A, %add3A_472, %dma_start3A_476] : memref<16x512x2048xf32, #tpu.memory_space<hbm>> -> memref<1x16x2048xf32, #tpu.memory_space<hbm>>
    %dma_start3A_478 = tpu.memref_squeeze %dma_start3A_477 : memref<1x16x2048xf32, #tpu.memory_space<hbm>> -> memref<16x2048xf32, #tpu.memory_space<hbm>>
    tpu.enqueue_dma source(%dma_start3A_478 : memref<16x2048xf32, #tpu.memory_space<hbm>>) target(%arg4 : memref<16x2048xf32, #tpu.memory_space<vmem>>) target_semaphore(%arg6 : memref<!tpu.dma_semaphore, #tpu.memory_space<semaphore_mem>>)
    %add3A_479 = arith.constant 224 : i32
    %add3A_480 = arith.addi %mul3A_32, %add3A_479 : i32
    %dma_wait3A_481 = arith.constant 0 : i32
    %dma_wait3A_482 = tpu.memref_slice %arg2[%select_n3A, %add3A_480, %dma_wait3A_481] : memref<16x512x2048xf32, #tpu.memory_space<hbm>> -> memref<1x16x2048xf32, #tpu.memory_space<hbm>>
    %dma_wait3A_483 = tpu.memref_squeeze %dma_wait3A_482 : memref<1x16x2048xf32, #tpu.memory_space<hbm>> -> memref<16x2048xf32, #tpu.memory_space<hbm>>
    %dma_wait3A_484 = arith.constant 0 : i32
    %dma_wait3A_485 = tpu.memref_slice %arg2[%select_n3A, %add3A_480, %dma_wait3A_484] : memref<16x512x2048xf32, #tpu.memory_space<hbm>> -> memref<1x16x2048xf32, #tpu.memory_space<hbm>>
    %dma_wait3A_486 = tpu.memref_squeeze %dma_wait3A_485 : memref<1x16x2048xf32, #tpu.memory_space<hbm>> -> memref<16x2048xf32, #tpu.memory_space<hbm>>
    tpu.wait_dma2 semaphore(%arg6 : memref<!tpu.dma_semaphore, #tpu.memory_space<semaphore_mem>>) src(%dma_wait3A_486 : memref<16x2048xf32, #tpu.memory_space<hbm>>) dst(%arg4 : memref<16x2048xf32, #tpu.memory_space<vmem>>)
    %add3A_487 = arith.constant 224 : i32
    %add3A_488 = arith.addi %mul3A_32, %add3A_487 : i32
    %dma_start3A_489 = arith.constant 0 : i32
    %dma_start3A_490 = tpu.memref_slice %arg3[%select_n3A, %add3A_488, %dma_start3A_489] : memref<16x512x2048xf32, #tpu.memory_space<hbm>> -> memref<1x16x2048xf32, #tpu.memory_space<hbm>>
    %dma_start3A_491 = tpu.memref_squeeze %dma_start3A_490 : memref<1x16x2048xf32, #tpu.memory_space<hbm>> -> memref<16x2048xf32, #tpu.memory_space<hbm>>
    %dma_start3A_492 = arith.constant 0 : i32
    %dma_start3A_493 = tpu.memref_slice %arg3[%select_n3A, %add3A_488, %dma_start3A_492] : memref<16x512x2048xf32, #tpu.memory_space<hbm>> -> memref<1x16x2048xf32, #tpu.memory_space<hbm>>
    %dma_start3A_494 = tpu.memref_squeeze %dma_start3A_493 : memref<1x16x2048xf32, #tpu.memory_space<hbm>> -> memref<16x2048xf32, #tpu.memory_space<hbm>>
    tpu.enqueue_dma source(%arg4 : memref<16x2048xf32, #tpu.memory_space<vmem>>) target(%dma_start3A_494 : memref<16x2048xf32, #tpu.memory_space<hbm>>) target_semaphore(%arg8 : memref<!tpu.dma_semaphore, #tpu.memory_space<semaphore_mem>>)
    %add3A_495 = arith.constant 208 : i32
    %add3A_496 = arith.addi %mul3A_32, %add3A_495 : i32
    %dma_wait3A_497 = arith.constant 0 : i32
    %dma_wait3A_498 = tpu.memref_slice %arg3[%select_n3A, %add3A_496, %dma_wait3A_497] : memref<16x512x2048xf32, #tpu.memory_space<hbm>> -> memref<1x16x2048xf32, #tpu.memory_space<hbm>>
    %dma_wait3A_499 = tpu.memref_squeeze %dma_wait3A_498 : memref<1x16x2048xf32, #tpu.memory_space<hbm>> -> memref<16x2048xf32, #tpu.memory_space<hbm>>
    %dma_wait3A_500 = arith.constant 0 : i32
    %dma_wait3A_501 = tpu.memref_slice %arg3[%select_n3A, %add3A_496, %dma_wait3A_500] : memref<16x512x2048xf32, #tpu.memory_space<hbm>> -> memref<1x16x2048xf32, #tpu.memory_space<hbm>>
    %dma_wait3A_502 = tpu.memref_squeeze %dma_wait3A_501 : memref<1x16x2048xf32, #tpu.memory_space<hbm>> -> memref<16x2048xf32, #tpu.memory_space<hbm>>
    tpu.wait_dma2 semaphore(%arg9 : memref<!tpu.dma_semaphore, #tpu.memory_space<semaphore_mem>>) src(%arg5 : memref<16x2048xf32, #tpu.memory_space<vmem>>) dst(%dma_wait3A_502 : memref<16x2048xf32, #tpu.memory_space<hbm>>)
    %add3A_503 = arith.constant 240 : i32
    %add3A_504 = arith.addi %mul3A_32, %add3A_503 : i32
    %dma_start3A_505 = arith.constant 0 : i32
    %dma_start3A_506 = tpu.memref_slice %arg2[%select_n3A, %add3A_504, %dma_start3A_505] : memref<16x512x2048xf32, #tpu.memory_space<hbm>> -> memref<1x16x2048xf32, #tpu.memory_space<hbm>>
    %dma_start3A_507 = tpu.memref_squeeze %dma_start3A_506 : memref<1x16x2048xf32, #tpu.memory_space<hbm>> -> memref<16x2048xf32, #tpu.memory_space<hbm>>
    %dma_start3A_508 = arith.constant 0 : i32
    %dma_start3A_509 = tpu.memref_slice %arg2[%select_n3A, %add3A_504, %dma_start3A_508] : memref<16x512x2048xf32, #tpu.memory_space<hbm>> -> memref<1x16x2048xf32, #tpu.memory_space<hbm>>
    %dma_start3A_510 = tpu.memref_squeeze %dma_start3A_509 : memref<1x16x2048xf32, #tpu.memory_space<hbm>> -> memref<16x2048xf32, #tpu.memory_space<hbm>>
    tpu.enqueue_dma source(%dma_start3A_510 : memref<16x2048xf32, #tpu.memory_space<hbm>>) target(%arg5 : memref<16x2048xf32, #tpu.memory_space<vmem>>) target_semaphore(%arg7 : memref<!tpu.dma_semaphore, #tpu.memory_space<semaphore_mem>>)
    %add3A_511 = arith.constant 240 : i32
    %add3A_512 = arith.addi %mul3A_32, %add3A_511 : i32
    %dma_wait3A_513 = arith.constant 0 : i32
    %dma_wait3A_514 = tpu.memref_slice %arg2[%select_n3A, %add3A_512, %dma_wait3A_513] : memref<16x512x2048xf32, #tpu.memory_space<hbm>> -> memref<1x16x2048xf32, #tpu.memory_space<hbm>>
    %dma_wait3A_515 = tpu.memref_squeeze %dma_wait3A_514 : memref<1x16x2048xf32, #tpu.memory_space<hbm>> -> memref<16x2048xf32, #tpu.memory_space<hbm>>
    %dma_wait3A_516 = arith.constant 0 : i32
    %dma_wait3A_517 = tpu.memref_slice %arg2[%select_n3A, %add3A_512, %dma_wait3A_516] : memref<16x512x2048xf32, #tpu.memory_space<hbm>> -> memref<1x16x2048xf32, #tpu.memory_space<hbm>>
    %dma_wait3A_518 = tpu.memref_squeeze %dma_wait3A_517 : memref<1x16x2048xf32, #tpu.memory_space<hbm>> -> memref<16x2048xf32, #tpu.memory_space<hbm>>
    tpu.wait_dma2 semaphore(%arg7 : memref<!tpu.dma_semaphore, #tpu.memory_space<semaphore_mem>>) src(%dma_wait3A_518 : memref<16x2048xf32, #tpu.memory_space<hbm>>) dst(%arg5 : memref<16x2048xf32, #tpu.memory_space<vmem>>)
    %add3A_519 = arith.constant 240 : i32
    %add3A_520 = arith.addi %mul3A_32, %add3A_519 : i32
    %dma_start3A_521 = arith.constant 0 : i32
    %dma_start3A_522 = tpu.memref_slice %arg3[%select_n3A, %add3A_520, %dma_start3A_521] : memref<16x512x2048xf32, #tpu.memory_space<hbm>> -> memref<1x16x2048xf32, #tpu.memory_space<hbm>>
    %dma_start3A_523 = tpu.memref_squeeze %dma_start3A_522 : memref<1x16x2048xf32, #tpu.memory_space<hbm>> -> memref<16x2048xf32, #tpu.memory_space<hbm>>
    %dma_start3A_524 = arith.constant 0 : i32
    %dma_start3A_525 = tpu.memref_slice %arg3[%select_n3A, %add3A_520, %dma_start3A_524] : memref<16x512x2048xf32, #tpu.memory_space<hbm>> -> memref<1x16x2048xf32, #tpu.memory_space<hbm>>
    %dma_start3A_526 = tpu.memref_squeeze %dma_start3A_525 : memref<1x16x2048xf32, #tpu.memory_space<hbm>> -> memref<16x2048xf32, #tpu.memory_space<hbm>>
    tpu.enqueue_dma source(%arg5 : memref<16x2048xf32, #tpu.memory_space<vmem>>) target(%dma_start3A_526 : memref<16x2048xf32, #tpu.memory_space<hbm>>) target_semaphore(%arg9 : memref<!tpu.dma_semaphore, #tpu.memory_space<semaphore_mem>>)
    %add3A_527 = arith.constant 224 : i32
    %add3A_528 = arith.addi %mul3A_32, %add3A_527 : i32
    %dma_wait3A_529 = arith.constant 0 : i32
    %dma_wait3A_530 = tpu.memref_slice %arg3[%select_n3A, %add3A_528, %dma_wait3A_529] : memref<16x512x2048xf32, #tpu.memory_space<hbm>> -> memref<1x16x2048xf32, #tpu.memory_space<hbm>>
    %dma_wait3A_531 = tpu.memref_squeeze %dma_wait3A_530 : memref<1x16x2048xf32, #tpu.memory_space<hbm>> -> memref<16x2048xf32, #tpu.memory_space<hbm>>
    %dma_wait3A_532 = arith.constant 0 : i32
    %dma_wait3A_533 = tpu.memref_slice %arg3[%select_n3A, %add3A_528, %dma_wait3A_532] : memref<16x512x2048xf32, #tpu.memory_space<hbm>> -> memref<1x16x2048xf32, #tpu.memory_space<hbm>>
    %dma_wait3A_534 = tpu.memref_squeeze %dma_wait3A_533 : memref<1x16x2048xf32, #tpu.memory_space<hbm>> -> memref<16x2048xf32, #tpu.memory_space<hbm>>
    tpu.wait_dma2 semaphore(%arg8 : memref<!tpu.dma_semaphore, #tpu.memory_space<semaphore_mem>>) src(%arg4 : memref<16x2048xf32, #tpu.memory_space<vmem>>) dst(%dma_wait3A_534 : memref<16x2048xf32, #tpu.memory_space<hbm>>)
    %add3A_535 = arith.constant 240 : i32
    %add3A_536 = arith.addi %mul3A_32, %add3A_535 : i32
    %dma_wait3A_537 = arith.constant 0 : i32
    %dma_wait3A_538 = tpu.memref_slice %arg3[%select_n3A, %add3A_536, %dma_wait3A_537] : memref<16x512x2048xf32, #tpu.memory_space<hbm>> -> memref<1x16x2048xf32, #tpu.memory_space<hbm>>
    %dma_wait3A_539 = tpu.memref_squeeze %dma_wait3A_538 : memref<1x16x2048xf32, #tpu.memory_space<hbm>> -> memref<16x2048xf32, #tpu.memory_space<hbm>>
    %dma_wait3A_540 = arith.constant 0 : i32
    %dma_wait3A_541 = tpu.memref_slice %arg3[%select_n3A, %add3A_536, %dma_wait3A_540] : memref<16x512x2048xf32, #tpu.memory_space<hbm>> -> memref<1x16x2048xf32, #tpu.memory_space<hbm>>
    %dma_wait3A_542 = tpu.memref_squeeze %dma_wait3A_541 : memref<1x16x2048xf32, #tpu.memory_space<hbm>> -> memref<16x2048xf32, #tpu.memory_space<hbm>>
    tpu.wait_dma2 semaphore(%arg9 : memref<!tpu.dma_semaphore, #tpu.memory_space<semaphore_mem>>) src(%arg5 : memref<16x2048xf32, #tpu.memory_space<vmem>>) dst(%dma_wait3A_542 : memref<16x2048xf32, #tpu.memory_space<hbm>>)
    return
  }
}

module attributes {stable_mosaic.version = 14 : i64} {
  func.func @_pool_kernel(%arg0: i32, %arg1: memref<16xi32, #tpu.memory_space<smem>>, %arg2: memref<1x512x2048xf32, #tpu.memory_space<vmem>>, %arg3: memref<1x1x2048xf32, #tpu.memory_space<vmem>>) attributes {dimension_semantics = [#tpu.dimension_semantics<arbitrary>], iteration_bounds = array<i64: 16>, scalar_prefetch = 0 : i64, scratch_operands = 0 : i64, tpu.core_type = #tpu.core_type<tc>, window_params = [{transform_indices = @transform_0, window_bounds = array<i64: 16>}, {transform_indices = @transform_1, window_bounds = array<i64: 1, 512, 2048>}, {transform_indices = @transform_2, window_bounds = array<i64: 1, 1, 2048>}]} {
    %get3A = arith.constant 0 : index
    %get3A_0 = arith.constant 0 : index
    %get3A_1 = arith.constant 0 : index
    %get3A_2 = vector.load %arg2[%get3A, %get3A_0, %get3A_1] : memref<1x512x2048xf32, #tpu.memory_space<vmem>>, vector<1x512x2048xf32>
    %get3A_3 = vector.shape_cast %get3A_2 : vector<1x512x2048xf32> to vector<512x2048xf32>
    %get3A_4 = arith.index_cast %arg0 : i32 to index
    %get3A_5 = memref.load %arg1[%get3A_4] : memref<16xi32, #tpu.memory_space<smem>>
    %iota3A = tpu.iota {dimensions = array<i32: 0>} : vector<512x2048xi32>
    %lt3A = vector.broadcast %get3A_5 : i32 to vector<512x2048xi32>
    %lt3A_6 = arith.cmpi slt, %iota3A, %lt3A : vector<512x2048xi32>
    %convert_element_type3A = arith.extui %lt3A_6 : vector<512x2048xi1> to vector<512x2048xi32>
    %convert_element_type3A_7 = arith.sitofp %convert_element_type3A : vector<512x2048xi32> to vector<512x2048xf32>
    %convert_element_type3A_8 = arith.sitofp %get3A_5 : i32 to f32
    %max3A = arith.constant 1.000000e+00 : f32
    %max3A_9 = arith.maximumf %convert_element_type3A_8, %max3A : f32
    %mul3A = arith.mulf %get3A_3, %convert_element_type3A_7 : vector<512x2048xf32>
    %reduce_sum3A = arith.constant dense<0.000000e+00> : vector<2048xf32>
    %reduce_sum3A_10 = vector.multi_reduction <add>, %mul3A, %reduce_sum3A [0] : vector<512x2048xf32> to vector<2048xf32>
    %broadcast_in_dim3A = vector.shape_cast %reduce_sum3A_10 : vector<2048xf32> to vector<1x2048xf32>
    %div3A = vector.broadcast %max3A_9 : f32 to vector<1x2048xf32>
    %div3A_11 = arith.divf %broadcast_in_dim3A, %div3A : vector<1x2048xf32>
    %swap3A = arith.constant 0 : index
    %swap3A_12 = arith.constant 0 : index
    %swap3A_13 = arith.constant 0 : index
    %swap3A_14 = vector.load %arg3[%swap3A, %swap3A_12, %swap3A_13] : memref<1x1x2048xf32, #tpu.memory_space<vmem>>, vector<1x1x2048xf32>
    %swap3A_15 = vector.shape_cast %swap3A_14 : vector<1x1x2048xf32> to vector<1x2048xf32>
    %swap3A_16 = vector.shape_cast %div3A_11 : vector<1x2048xf32> to vector<1x1x2048xf32>
    tpu.vector_store %arg3[%swap3A, %swap3A_12, %swap3A_13], %swap3A_16 {strides = array<i32>} : memref<1x1x2048xf32, #tpu.memory_space<vmem>>, vector<1x1x2048xf32>,
    return
  }
  func.func @transform_0(%arg0: i32) -> i32 {
    %c0_i32 = arith.constant 0 : i32
    %c0_i32_0 = arith.constant 0 : i32
    return %c0_i32 : i32
  }
  func.func @transform_1(%arg0: i32) -> (i32, i32, i32) {
    %c0_i32 = arith.constant 0 : i32
    %c0_i32_0 = arith.constant 0 : i32
    %c0_i32_1 = arith.constant 0 : i32
    return %arg0, %c0_i32, %c0_i32_0 : i32, i32, i32
  }
  func.func @transform_2(%arg0: i32) -> (i32, i32, i32) {
    %c0_i32 = arith.constant 0 : i32
    %c0_i32_0 = arith.constant 0 : i32
    %c0_i32_1 = arith.constant 0 : i32
    return %arg0, %c0_i32, %c0_i32_0 : i32, i32, i32
  }
}

module attributes {stable_mosaic.version = 14 : i64} {
  func.func @_heads_kernel(%arg0: memref<16x1x2048xf32, #tpu.memory_space<vmem>>, %arg1: memref<2048x1024xf32, #tpu.memory_space<vmem>>, %arg2: memref<1x1024xf32, #tpu.memory_space<vmem>>, %arg3: memref<16x1xf32, #tpu.memory_space<vmem>>, %arg4: memref<128x256xf32, #tpu.memory_space<vmem>>, %arg5: memref<1x256xf32, #tpu.memory_space<vmem>>, %arg6: memref<16x1024xf32, #tpu.memory_space<vmem>>, %arg7: memref<16x256xf32, #tpu.memory_space<vmem>>) attributes {dimension_semantics = [], scalar_prefetch = 0 : i64, scratch_operands = 0 : i64, tpu.core_type = #tpu.core_type<tc>} {
    %get3A = arith.constant 0 : index
    %get3A_0 = arith.constant 0 : index
    %get3A_1 = arith.constant 0 : index
    %get3A_2 = vector.load %arg0[%get3A, %get3A_0, %get3A_1] : memref<16x1x2048xf32, #tpu.memory_space<vmem>>, vector<16x1x2048xf32>
    %squeeze3A = vector.shape_cast %get3A_2 : vector<16x1x2048xf32> to vector<16x2048xf32>
    %get3A_3 = arith.constant 0 : index
    %get3A_4 = arith.constant 0 : index
    %get3A_5 = vector.load %arg1[%get3A_3, %get3A_4] : memref<2048x1024xf32, #tpu.memory_space<vmem>>, vector<2048x1024xf32>
    %dot_general3A = arith.constant dense<0.000000e+00> : vector<16x1024xf32>
    %dot_general3A_6 = tpu.matmul %squeeze3A, %get3A_5, %dot_general3A {dimension_numbers = #tpu.dot_dimension_numbers<[1], [0], [0], [1], [0, 0, 1, 1], [], []>, transpose_lhs_hint = false} : vector<16x2048xf32>, vector<2048x1024xf32>, vector<16x1024xf32> -> vector<16x1024xf32>
    %get3A_7 = arith.constant 0 : index
    %get3A_8 = arith.constant 0 : index
    %get3A_9 = vector.load %arg2[%get3A_7, %get3A_8] : memref<1x1024xf32, #tpu.memory_space<vmem>>, vector<1x1024xf32>
    %add3A = vector.broadcast %get3A_9 : vector<1x1024xf32> to vector<16x1024xf32>
    %add3A_10 = arith.addf %dot_general3A_6, %add3A : vector<16x1024xf32>
    %mul3A = arith.constant 5.000000e-01 : f32
    %mul3A_11 = vector.broadcast %mul3A : f32 to vector<16x1024xf32>
    %mul3A_12 = arith.mulf %mul3A_11, %add3A_10 : vector<16x1024xf32>
    %mul3A_13 = arith.constant 0.707106769 : f32
    %mul3A_14 = vector.broadcast %mul3A_13 : f32 to vector<16x1024xf32>
    %mul3A_15 = arith.mulf %add3A_10, %mul3A_14 : vector<16x1024xf32>
    %erf3A = math.erf %mul3A_15 : vector<16x1024xf32>
    %add3A_16 = arith.constant 1.000000e+00 : f32
    %add3A_17 = vector.broadcast %add3A_16 : f32 to vector<16x1024xf32>
    %add3A_18 = arith.addf %add3A_17, %erf3A : vector<16x1024xf32>
    %mul3A_19 = arith.mulf %mul3A_12, %add3A_18 : vector<16x1024xf32>
    %swap3A = arith.constant 0 : index
    %swap3A_20 = arith.constant 0 : index
    %swap3A_21 = vector.load %arg6[%swap3A, %swap3A_20] : memref<16x1024xf32, #tpu.memory_space<vmem>>, vector<16x1024xf32>
    tpu.vector_store %arg6[%swap3A, %swap3A_20], %mul3A_19 {strides = array<i32>} : memref<16x1024xf32, #tpu.memory_space<vmem>>, vector<16x1024xf32>,
    %get3A_22 = arith.constant 0 : index
    %get3A_23 = arith.constant 0 : index
    %get3A_24 = vector.load %arg3[%get3A_22, %get3A_23] : memref<16x1xf32, #tpu.memory_space<vmem>>, vector<16x1xf32>
    %iota3A = tpu.iota {dimensions = array<i32: 1>} : vector<16x64xi32>
    %convert_element_type3A = arith.sitofp %iota3A : vector<16x64xi32> to vector<16x64xf32>
    %mul3A_25 = arith.constant -0.14391157 : f32
    %mul3A_26 = vector.broadcast %mul3A_25 : f32 to vector<16x64xf32>
    %mul3A_27 = arith.mulf %mul3A_26, %convert_element_type3A : vector<16x64xf32>
    %exp3A = math.exp %mul3A_27 : vector<16x64xf32>
    %mul3A_28 = vector.broadcast %get3A_24 : vector<16x1xf32> to vector<16x64xf32>
    %mul3A_29 = arith.mulf %mul3A_28, %exp3A : vector<16x64xf32>
    %cos3A = math.cos %mul3A_29 : vector<16x64xf32>
    %sin3A = math.sin %mul3A_29 : vector<16x64xf32>
    %concatenate3A = tpu.concatenate %cos3A, %sin3A in 1 : vector<16x64xf32>, vector<16x64xf32> -> vector<16x128xf32>
    %get3A_30 = arith.constant 0 : index
    %get3A_31 = arith.constant 0 : index
    %get3A_32 = vector.load %arg4[%get3A_30, %get3A_31] : memref<128x256xf32, #tpu.memory_space<vmem>>, vector<128x256xf32>
    %dot_general3A_33 = arith.constant dense<0.000000e+00> : vector<16x256xf32>
    %dot_general3A_34 = tpu.matmul %concatenate3A, %get3A_32, %dot_general3A_33 {dimension_numbers = #tpu.dot_dimension_numbers<[1], [0], [0], [1], [0, 0, 1, 1], [], []>, transpose_lhs_hint = false} : vector<16x128xf32>, vector<128x256xf32>, vector<16x256xf32> -> vector<16x256xf32>
    %get3A_35 = arith.constant 0 : index
    %get3A_36 = arith.constant 0 : index
    %get3A_37 = vector.load %arg5[%get3A_35, %get3A_36] : memref<1x256xf32, #tpu.memory_space<vmem>>, vector<1x256xf32>
    %add3A_38 = vector.broadcast %get3A_37 : vector<1x256xf32> to vector<16x256xf32>
    %add3A_39 = arith.addf %dot_general3A_34, %add3A_38 : vector<16x256xf32>
    %logistic3A = arith.negf %add3A_39 : vector<16x256xf32>
    %logistic3A_40 = math.exp %logistic3A : vector<16x256xf32>
    %logistic3A_41 = arith.constant 1.000000e+00 : f32
    %logistic3A_42 = vector.broadcast %logistic3A_41 : f32 to vector<16x256xf32>
    %logistic3A_43 = arith.addf %logistic3A_42, %logistic3A_40 : vector<16x256xf32>
    %logistic3A_44 = arith.divf %logistic3A_42, %logistic3A_43 : vector<16x256xf32>
    %mul3A_45 = arith.mulf %add3A_39, %logistic3A_44 : vector<16x256xf32>
    %swap3A_46 = arith.constant 0 : index
    %swap3A_47 = arith.constant 0 : index
    %swap3A_48 = vector.load %arg7[%swap3A_46, %swap3A_47] : memref<16x256xf32, #tpu.memory_space<vmem>>, vector<16x256xf32>
    tpu.vector_store %arg7[%swap3A_46, %swap3A_47], %mul3A_45 {strides = array<i32>} : memref<16x256xf32, #tpu.memory_space<vmem>>, vector<16x256xf32>,
    return
  }
}

module attributes {stable_mosaic.version = 14 : i64} {
  func.func @_postfix_kernel(%arg0: i32, %arg1: memref<16x1024xf32, #tpu.memory_space<vmem>>, %arg2: memref<16x256xf32, #tpu.memory_space<vmem>>, %arg3: memref<1024x2048xf32, #tpu.memory_space<vmem>>, %arg4: memref<1x2048xf32, #tpu.memory_space<vmem>>, %arg5: memref<256x2048xf32, #tpu.memory_space<vmem>>, %arg6: memref<1x2048xf32, #tpu.memory_space<vmem>>, %arg7: memref<1x1x2048xf32, #tpu.memory_space<vmem>>, %arg8: memref<16x16x2048xf32, #tpu.memory_space<vmem>>) attributes {dimension_semantics = [#tpu.dimension_semantics<arbitrary>], iteration_bounds = array<i64: 16>, scalar_prefetch = 0 : i64, scratch_operands = 0 : i64, tpu.core_type = #tpu.core_type<tc>, window_params = [{pipeline_mode = #tpu.pipeline_mode<synchronous>, transform_indices = @transform_0, window_bounds = array<i64: 16, 1024>}, {pipeline_mode = #tpu.pipeline_mode<synchronous>, transform_indices = @transform_1, window_bounds = array<i64: 16, 256>}, {transform_indices = @transform_2, window_bounds = array<i64: 1024, 2048>}, {transform_indices = @transform_3, window_bounds = array<i64: 1, 2048>}, {transform_indices = @transform_4, window_bounds = array<i64: 256, 2048>}, {transform_indices = @transform_5, window_bounds = array<i64: 1, 2048>}, {transform_indices = @transform_6, window_bounds = array<i64: 1, 1, 2048>}, {pipeline_mode = #tpu.pipeline_mode<synchronous>, transform_indices = @transform_7, window_bounds = array<i64: 16, 16, 2048>}]} {
    %get3A = arith.constant 0 : index
    %get3A_0 = arith.constant 0 : index
    %get3A_1 = vector.load %arg1[%get3A, %get3A_0] : memref<16x1024xf32, #tpu.memory_space<vmem>>, vector<16x1024xf32>
    %get3A_2 = arith.constant 0 : index
    %get3A_3 = arith.constant 0 : index
    %get3A_4 = vector.load %arg3[%get3A_2, %get3A_3] : memref<1024x2048xf32, #tpu.memory_space<vmem>>, vector<1024x2048xf32>
    %dot_general3A = arith.constant dense<0.000000e+00> : vector<16x2048xf32>
    %dot_general3A_5 = tpu.matmul %get3A_1, %get3A_4, %dot_general3A {dimension_numbers = #tpu.dot_dimension_numbers<[1], [0], [0], [1], [0, 0, 1, 1], [], []>, transpose_lhs_hint = false} : vector<16x1024xf32>, vector<1024x2048xf32>, vector<16x2048xf32> -> vector<16x2048xf32>
    %get3A_6 = arith.constant 0 : index
    %get3A_7 = arith.constant 0 : index
    %get3A_8 = vector.load %arg2[%get3A_6, %get3A_7] : memref<16x256xf32, #tpu.memory_space<vmem>>, vector<16x256xf32>
    %get3A_9 = arith.constant 0 : index
    %get3A_10 = arith.constant 0 : index
    %get3A_11 = vector.load %arg5[%get3A_9, %get3A_10] : memref<256x2048xf32, #tpu.memory_space<vmem>>, vector<256x2048xf32>
    %dot_general3A_12 = arith.constant dense<0.000000e+00> : vector<16x2048xf32>
    %dot_general3A_13 = tpu.matmul %get3A_8, %get3A_11, %dot_general3A_12 {dimension_numbers = #tpu.dot_dimension_numbers<[1], [0], [0], [1], [0, 0, 1, 1], [], []>, transpose_lhs_hint = false} : vector<16x256xf32>, vector<256x2048xf32>, vector<16x2048xf32> -> vector<16x2048xf32>
    %add3A = arith.addf %dot_general3A_5, %dot_general3A_13 : vector<16x2048xf32>
    %get3A_14 = arith.constant 0 : index
    %get3A_15 = arith.constant 0 : index
    %get3A_16 = vector.load %arg4[%get3A_14, %get3A_15] : memref<1x2048xf32, #tpu.memory_space<vmem>>, vector<1x2048xf32>
    %add3A_17 = vector.broadcast %get3A_16 : vector<1x2048xf32> to vector<16x2048xf32>
    %add3A_18 = arith.addf %add3A, %add3A_17 : vector<16x2048xf32>
    %get3A_19 = arith.constant 0 : index
    %get3A_20 = arith.constant 0 : index
    %get3A_21 = vector.load %arg6[%get3A_19, %get3A_20] : memref<1x2048xf32, #tpu.memory_space<vmem>>, vector<1x2048xf32>
    %add3A_22 = vector.broadcast %get3A_21 : vector<1x2048xf32> to vector<16x2048xf32>
    %add3A_23 = arith.addf %add3A_18, %add3A_22 : vector<16x2048xf32>
    %get3A_24 = arith.constant 0 : index
    %get3A_25 = arith.constant 0 : index
    %get3A_26 = arith.constant 0 : index
    %get3A_27 = vector.load %arg7[%get3A_24, %get3A_25, %get3A_26] : memref<1x1x2048xf32, #tpu.memory_space<vmem>>, vector<1x1x2048xf32>
    %get3A_28 = vector.shape_cast %get3A_27 : vector<1x1x2048xf32> to vector<1x2048xf32>
    %add3A_29 = vector.broadcast %get3A_28 : vector<1x2048xf32> to vector<16x2048xf32>
    %add3A_30 = arith.addf %add3A_23, %add3A_29 : vector<16x2048xf32>
    %mul3A = arith.constant 1.000000e+00 : f32
    %mul3A_31 = vector.broadcast %mul3A : f32 to vector<16x2048xf32>
    %mul3A_32 = arith.mulf %add3A_30, %mul3A_31 : vector<16x2048xf32>
    %swap3A = arith.constant 0 : index
    %swap3A_33 = arith.index_cast %arg0 : i32 to index
    %swap3A_34 = arith.constant 0 : index
    %swap3A_35 = vector.load %arg8[%swap3A, %swap3A_33, %swap3A_34] : memref<16x16x2048xf32, #tpu.memory_space<vmem>>, vector<16x1x2048xf32>
    %swap3A_36 = vector.shape_cast %swap3A_35 : vector<16x1x2048xf32> to vector<16x2048xf32>
    %swap3A_37 = vector.shape_cast %mul3A_32 : vector<16x2048xf32> to vector<16x1x2048xf32>
    tpu.vector_store %arg8[%swap3A, %swap3A_33, %swap3A_34], %swap3A_37 {strides = array<i32>} : memref<16x16x2048xf32, #tpu.memory_space<vmem>>, vector<16x1x2048xf32>,
    return
  }
  func.func @transform_0(%arg0: i32) -> (i32, i32) {
    %c0_i32 = arith.constant 0 : i32
    %c0_i32_0 = arith.constant 0 : i32
    %c0_i32_1 = arith.constant 0 : i32
    return %c0_i32, %c0_i32_0 : i32, i32
  }
  func.func @transform_1(%arg0: i32) -> (i32, i32) {
    %c0_i32 = arith.constant 0 : i32
    %c0_i32_0 = arith.constant 0 : i32
    %c0_i32_1 = arith.constant 0 : i32
    return %c0_i32, %c0_i32_0 : i32, i32
  }
  func.func @transform_2(%arg0: i32) -> (i32, i32) {
    %c0_i32 = arith.constant 0 : i32
    %c0_i32_0 = arith.constant 0 : i32
    return %c0_i32, %arg0 : i32, i32
  }
  func.func @transform_3(%arg0: i32) -> (i32, i32) {
    %c0_i32 = arith.constant 0 : i32
    %c0_i32_0 = arith.constant 0 : i32
    return %c0_i32, %arg0 : i32, i32
  }
  func.func @transform_4(%arg0: i32) -> (i32, i32) {
    %c0_i32 = arith.constant 0 : i32
    %c0_i32_0 = arith.constant 0 : i32
    return %c0_i32, %arg0 : i32, i32
  }
  func.func @transform_5(%arg0: i32) -> (i32, i32) {
    %c0_i32 = arith.constant 0 : i32
    %c0_i32_0 = arith.constant 0 : i32
    return %c0_i32, %arg0 : i32, i32
  }
  func.func @transform_6(%arg0: i32) -> (i32, i32, i32) {
    %c0_i32 = arith.constant 0 : i32
    %c0_i32_0 = arith.constant 0 : i32
    %c0_i32_1 = arith.constant 0 : i32
    return %arg0, %c0_i32, %c0_i32_0 : i32, i32, i32
  }
  func.func @transform_7(%arg0: i32) -> (i32, i32, i32) {
    %c0_i32 = arith.constant 0 : i32
    %c0_i32_0 = arith.constant 0 : i32
    %c0_i32_1 = arith.constant 0 : i32
    %c0_i32_2 = arith.constant 0 : i32
    return %c0_i32, %c0_i32_0, %c0_i32_1 : i32, i32, i32
  }
}

module attributes {stable_mosaic.version = 14 : i64} {
  func.func @_finish_kernel(%arg0: i32, %arg1: memref<16x512x2048xf32, #tpu.memory_space<hbm>>, %arg2: memref<16x16x2048xf32, #tpu.memory_space<vmem>>, %arg3: memref<16x16x2048xf32, #tpu.memory_space<vmem>>) attributes {dimension_semantics = [#tpu.dimension_semantics<arbitrary>], iteration_bounds = array<i64: 1>, scalar_prefetch = 0 : i64, scratch_operands = 0 : i64, tpu.core_type = #tpu.core_type<tc>, window_params = [{}, {pipeline_mode = #tpu.pipeline_mode<synchronous>, transform_indices = @transform_1, window_bounds = array<i64: 16, 16, 2048>}, {transform_indices = @transform_2, window_bounds = array<i64: 16, 16, 2048>}]} {
    %get3A = arith.constant 0 : index
    %get3A_0 = arith.constant 0 : index
    %get3A_1 = arith.constant 0 : index
    %get3A_2 = vector.load %arg2[%get3A, %get3A_0, %get3A_1] : memref<16x16x2048xf32, #tpu.memory_space<vmem>>, vector<16x16x2048xf32>
    %swap3A = arith.constant 0 : index
    %swap3A_3 = arith.constant 0 : index
    %swap3A_4 = arith.constant 0 : index
    %swap3A_5 = vector.load %arg3[%swap3A, %swap3A_3, %swap3A_4] : memref<16x16x2048xf32, #tpu.memory_space<vmem>>, vector<16x16x2048xf32>
    tpu.vector_store %arg3[%swap3A, %swap3A_3, %swap3A_4], %get3A_2 {strides = array<i32>} : memref<16x16x2048xf32, #tpu.memory_space<vmem>>, vector<16x16x2048xf32>,
    return
  }
  func.func @transform_1(%arg0: i32) -> (i32, i32, i32) {
    %c0_i32 = arith.constant 0 : i32
    %c0_i32_0 = arith.constant 0 : i32
    %c0_i32_1 = arith.constant 0 : i32
    %c0_i32_2 = arith.constant 0 : i32
    return %c0_i32, %c0_i32_0, %c0_i32_1 : i32, i32, i32
  }
  func.func @transform_2(%arg0: i32) -> (i32, i32, i32) {
    %c0_i32 = arith.constant 0 : i32
    %c31_i32 = arith.constant 31 : i32
    %c0_i32_0 = arith.constant 0 : i32
    %c0_i32_1 = arith.constant 0 : i32
    return %c0_i32, %c31_i32, %c0_i32_0 : i32, i32, i32
  }
}

</mosaic_0001>

<sc_bundles>
// kernel: kernel.7.cloned.1.call-start
scs
__scs_entry_jumppad:
0x0: {  	(pc) =	sbr.rel $0x88, $3  }
0x1: {  	(tag) =	ssettag $0x0;
	lr =	simm.s32 $0x1  }
0x2: {  	[smem:$0x3F95] =	sst lr;
	_ =	strace $0xD0000000  }
0x3: {  	_ = 	snop  }
0x4: {  	_ = 	snop  }
0x5: {  	_ = 	snop  }
0x6: {  	_ = 	snop  }
0x7: {  	_ = 	snop  }
__scs_overlays_trampoline_lowered:
0x8: {  	[smem:$0x3FA4] =	sst s0  }
0x9: {  	[smem:$0x3FA5] =	sst s1  }
0xa: {  	[smem:$0x3FA6] =	sst s2  }
0xb: {  	[smem:$0x3FA7] =	sst s3  }
0xc: {  	[smem:$0x3FA8] =	sst s4  }
0xd: {  	[smem:$0x3FA9] =	sst s5  }
0xe: {  	[smem:$0x3FAA] =	sst s6  }
0xf: {  	[smem:$0x3FAB] =	sst s7  }
0x10: {  	[smem:$0x3FAC] =	sst s8  }
0x11: {  	[smem:$0x3FAD] =	sst s9;
	s0 =	simm.s32 @!p0 $0x0  }
0x12: {  	s1 =	sld [smem:$0x3F93];
	s0 =	simm.s32 @p0 $0x1  }
0x13: {  	[smem:$0x3FAE] =	sst s0;
	s0 =	simm.s32 @!p1 $0x0  }
0x14: {  	s2 =	sld [smem:$0x3F92];
	s0 =	simm.s32 @p1 $0x1  }
0x15: {  	[smem:$0x3FAF] =	sst s0;
	s0 =	simm.s32 @!p2 $0x0  }
0x16: {  	s3 =	sld [smem:$0x3FDB];
	s0 =	simm.s32 @p2 $0x1  }
0x17: {  	s4 =	simm.s32 $0x1BF5;
	[smem:$0x3FB1] =	sst s0  }
0x18: {  	s0 =	sld [smem:$0x3F94];
	_ =	swait.ge [sflag:s4], $0x0  }
0x19: {  	s7 =	sld [smem:$0x3F95]  }
0x1a: {  	s8 =	sadd.s32 $0xFFFFE003, lr  }
0x1b: {  	s9 =	sadd.s32 $0xFFFFFEF7, lr;
	s5 =	simm.s32 $0xFFFFFFFF;
	p2 =	slt.u32 s8, $0xFFFFF086  }
0x1c: {  	p1 =	slt.u32 s9, $0xF7A;
	s5 =	simm.s32 @!p2 $0x0  }
0x1d: {  	s5 =	simm.s32 @p1 $0x1;
	p0 =	seq.s32 s7, s2  }
0x1e: {  	s7 =	smul.u32 @!p0 $0xF7A, s2;
	p2 =	seq.s32 @!p0 s5, $0x0  }
0x1f: {  	s9 =	smul.u32 $0xF7A, s1;
	s8 =	simm.s32 @!p0 $0x1BF5;
	p2 =	por !p2, p0  }
0x20: {  	[sflag:s8] =	ssyncset.s32 @!p0 $0xFFFFF086;
	s6 =	sadd.s32 @!p0 s3, s7;
	s7 =	simm.s32 @!p0 $0x108  }
0x21: {  	s3 =	sadd.s32 s3, s9;
	s6 =	sadd.s32 @!p0 $0x88, s6;
	s7 =	simm.s32 @p2 $0x1082  }
0x22: {  	[simem:s7], [sflag:s8] =	dma.local @!p0 [hbm:s6], $0xF7A  }
0x23: {  	s9 =	sor.u32 $0xD0000000, s2;
	s6 =	simm.s32 $0x108;
	_ =	swait.ge @!p0 [sflag:s8], $0x0  }
0x24: {  	s3 =	sadd.s32 $0x88, s3;
	s6 =	simm.s32 @!p1 $0x1082;
	[sflag:s4] =	ssyncset.s32 $0xFFFFF086  }
0x25: {  	[simem:s6], [sflag:s4] =	dma.local [hbm:s3], $0xF7A  }
0x26: {  	[smem:$0x3F95] =	sst s1;
	(tag) =	ssettag s2;
	_ =	strace s9  }
0x27: {  	s1 =	sld [smem:$0x3FA5]  }
0x28: {  	s2 =	sld [smem:$0x3FA6]  }
0x29: {  	s4 =	sld [smem:$0x3FA8]  }
0x2a: {  	p0 =	seq.s32 s5, $0x0;
	s5 =	sld [smem:$0x3FA9]  }
0x2b: {  	s6 =	sld [smem:$0x3FAA]  }
0x2c: {  	s7 =	sld [smem:$0x3FAB]  }
0x2d: {  	s3 =	simm.s32 $0x108;
	s8 =	sld [smem:$0x3FAC]  }
0x2e: {  	s3 =	simm.s32 @!p0 $0x1082;
	s9 =	sld [smem:$0x3FAD]  }
0x2f: {  	lr =	sadd.s32 s0, s3;
	s0 =	sld [smem:$0x3FA4]  }
0x30: {  	s3 =	sld [smem:$0x3FA7]  }
0x31: {  	[smem:$0x3FB0] =	sst s10  }
0x32: {  	s10 =	sld [smem:$0x3FAE];
	_ =	sdelay $0x3  }
0x33: {  	p0 =	seq.s32 s10, $0x1;
	s10 =	sld [smem:$0x3FB0];
	_ =	sdelay $0x3  }
0x34: {  	[smem:$0x3FB0] =	sst s10  }
0x35: {  	s10 =	sld [smem:$0x3FAF];
	_ =	sdelay $0x3  }
0x36: {  	p1 =	seq.s32 s10, $0x1;
	s10 =	sld [smem:$0x3FB0];
	_ =	sdelay $0x3  }
0x37: {  	[smem:$0x3FB0] =	sst s10  }
0x38: {  	s10 =	sld [smem:$0x3FB1]  }
0x39: {  	_ = 	snop;
	(pc) =	sbr.ind lr, $3  }
0x3a: {  	_ = 	snop  }
0x3b: {  	_ = 	snop  }
0x3c: {  	p2 =	seq.s32 s10, $0x1;
	s10 =	sld [smem:$0x3FB0]  }
0x3d: {  	_ =	shalt  }
0x3e: {  	_ =	shalt  }
0x3f: {  	_ =	shalt  }
0x40: {  	_ =	shalt  }
0x41: {  	_ =	shalt  }
0x42: {  	_ =	shalt  }
0x43: {  	_ =	shalt  }
0x44: {  	_ =	shalt  }
0x45: {  	_ =	shalt  }
0x46: {  	_ =	shalt  }
0x47: {  	_ =	shalt  }
0x48: {  	_ =	shalt  }
0x49: {  	_ =	shalt  }
0x4a: {  	_ =	shalt  }
0x4b: {  	_ =	shalt  }
0x4c: {  	_ =	shalt  }
0x4d: {  	_ =	shalt  }
0x4e: {  	_ =	shalt  }
0x4f: {  	_ =	shalt  }
0x50: {  	_ =	shalt  }
0x51: {  	_ =	shalt  }
0x52: {  	_ =	shalt  }
0x53: {  	_ =	shalt  }
0x54: {  	_ =	shalt  }
0x55: {  	_ =	shalt  }
0x56: {  	_ =	shalt  }
0x57: {  	_ =	shalt  }
0x58: {  	_ =	shalt  }
0x59: {  	_ =	shalt  }
0x5a: {  	_ =	shalt  }
0x5b: {  	_ =	shalt  }
0x5c: {  	_ =	shalt  }
0x5d: {  	_ =	shalt  }
0x5e: {  	_ =	shalt  }
0x5f: {  	_ =	shalt  }
0x60: {  	_ =	shalt  }
0x61: {  	_ =	shalt  }
0x62: {  	_ =	shalt  }
0x63: {  	_ =	shalt  }
0x64: {  	_ =	shalt  }
0x65: {  	_ =	shalt  }
0x66: {  	_ =	shalt  }
0x67: {  	_ =	shalt  }
0x68: {  	_ =	shalt  }
0x69: {  	_ =	shalt  }
0x6a: {  	_ =	shalt  }
0x6b: {  	_ =	shalt  }
0x6c: {  	_ =	shalt  }
0x6d: {  	_ =	shalt  }
0x6e: {  	_ =	shalt  }
0x6f: {  	_ =	shalt  }
0x70: {  	_ =	shalt  }
0x71: {  	_ =	shalt  }
0x72: {  	_ =	shalt  }
0x73: {  	_ =	shalt  }
0x74: {  	_ =	shalt  }
0x75: {  	_ =	shalt  }
0x76: {  	_ =	shalt  }
0x77: {  	_ =	shalt  }
0x78: {  	_ =	shalt  }
0x79: {  	_ =	shalt  }
0x7a: {  	_ =	shalt  }
0x7b: {  	_ =	shalt  }
0x7c: {  	_ =	shalt  }
0x7d: {  	_ =	shalt  }
0x7e: {  	_ =	shalt  }
0x7f: {  	_ =	shalt  }
0x80: {  	_ =	shalt  }
0x81: {  	_ =	shalt  }
0x82: {  	_ =	shalt  }
0x83: {  	_ =	shalt  }
0x84: {  	_ =	shalt  }
0x85: {  	_ =	shalt  }
0x86: {  	_ =	shalt  }
0x87: {  	_ =	shalt  }
.Lfunc_end0:
.L_simem_size_0:
called_computation_lowered:
.L_overlay_start_0:
0x88: {  	s2 =	sld [smem:$0x3FD9]  }
0x89: {  	s3 =	sld [smem:$0x3FFE];
	_ =	sdelay $0x1  }
0x8a: {  	s1 =	srdreg.scid  }
0x8b: {  	s0 =	sand.u32 $0x1, s1  }
0x8c: {  	s18 =	sshll.u32 s0, $0xA;
	s2 =	sadd.s32 s3, s2  }
0x8d: {  	s2 =	sadd.s32 s2, s18  }
0x8e: {  	[smem:$0x3FBC] =	sst s2  }
0x8f: {  	_ = 	snop  }
0x90: {  	s2 =	sld [smem:$0x3FC9]  }
0x91: {  	s19 =	sld [smem:$0x3FD0];
	(tm) =	ssettm $0x1  }
0x92: {  	s4 =	sld [smem:$0x3FFB];
	_ =	sdelay $0x3  }
0x93: {  	_ =	strace s4  }
0x94: {  	s4 =	sld [smem:$0x3FFC];
	_ =	sdelay $0x3  }
0x95: {  	_ =	strace s4  }
0x96: {  	s4 =	sld [smem:$0x3FFD];
	_ =	sdelay $0x3  }
0x97: {  	_ =	strace s4  }
0x98: {  	_ =	strace $0x8FFFFFFF  }
0x99: {  	s20 =	sld [smem:$0x3FDB];
	_ =	sdelay $0x1  }
0x9a: {  	s5 =	simm.s32 $_scs_section_size  }
0x9b: {  	s6 =	simm.s32 $_size__tile_overlayer_lowered;
	s7 =	simm.s32 $_tile_overlayer_lowered  }
0x9c: {  	s23 =	simm.s32 $0x1BFF;
	s22 =	sshll.u32 s7, $0x1;
	s4 =	sadd.s32 s5, s20  }
0x9d: {  	s8 =	simm.s32 $0x0;
	s21 =	sshll.u32 s6, $0x1;
	s6 =	sadd.s32 s22, s4  }
0x9e: {  	[timem:s8], [sflag:s23] =	dma.local [hbm:s6], s21  }
0x9f: {  	_ =	swait.ge [sflag:s23], s21  }
0xa0: {  	s5 =	ssub.s32 $0x0, s21;
	[sflag:s23] =	ssyncset.done $0x0  }
0xa1: {  	[sflag:s23] =	ssyncadd.s32 s5;
	_ =	sdelay $0x1  }
0xa2: {  	s24 =	simm.s32 $0x1B8B  }
0xa3: {  	_ =	swait.ge [sflag:s24], $0x1  }
0xa4: {  	[sflag:s24] =	ssyncset.done $0x0  }
0xa5: {  	s25 =	simm.s32 $0x1B8E;
	[sflag:s24] =	ssyncadd.s32 $0xFFFFFFFF  }
0xa6: {  	s26 =	simm.s32 $execute0_lowered;
	[smem:$0x3FD2] =	sst s25  }
0xa7: {  	s5 =	sshll.u32 s26, $0x1;
	_ =	strace $0x80000046;
	[dreg:$0x1] =	wrdreg $0xFFFFFFFF  }
0xa8: {  	s28 =	simm.s32 $_size_execute0_lowered;
	s4 =	sadd.s32 s4, s5;
	[dreg:$0x0] =	wrdreg $0x0  }
0xa9: {  	s5 =	sshll.u32 s28, $0x1;
	[dreg:$0x2] =	wrdreg s4  }
0xaa: {  	[dreg:$0x3] =	wrdreg s5  }
0xab: {  	[dreg:$0x4] =	wrdreg $0xC0  }
0xac: {  	_ =	task [dreg:s8], $0x5FFFF  }
0xad: {  	[dreg:$0x1] =	wrdreg $0xFFFFFFFF  }
0xae: {  	[dreg:$0x0] =	wrdreg $0x60  }
0xaf: {  	[dreg:$0x2] =	wrdreg s2  }
0xb0: {  	[dreg:$0x3] =	wrdreg s19  }
0xb1: {  	[dreg:$0x4] =	wrdreg $0x9  }
0xb2: {  	_ =	task.clear_ibuf [dreg:s8], $0x5FFFF;
	_ =	strace $0x90000046  }
0xb3: {  	s29 =	simm.s32 $0x9;
	_ =	strace $0x80000048  }
0xb4: {  	_ =	swait.ge [sflag:s29], $0x1  }
0xb5: {  	[sflag:s29] =	ssyncadd.s32 $0xFFFFFFFF  }
0xb6: {  	_ =	strace $0x90000048  }
0xb7: {  	_ =	sfence  }
0xb8: {  	s30 =	sld [smem:$0x0];
	_ =	sdelay $0x2  }
0xb9: {  	s31 =	sshll.u32 s1, $0xD;
	s1 =	sshrl.u32 s1, $0x2  }
0xba: {  	s3 =	sand.u32 $0x4000, s31;
	s1 =	sadd.s32 s1, s30  }
0xbb: {  	s0 =	sor.u32 s3, s0;
	s1 =	sshll.u32 s1, $0x11  }
0xbc: {  	s0 =	sor.u32 s1, s0  }
0xbd: {  	s0 =	sadd.s32 $0x8F2B, s0  }
0xbe: {  	[sflag:s0] =	ssyncadd.remote.s32 $0x1  }
0xbf: {  	_ =	sfence.sel $0xFFFF  }
0xc0: {  	[dreg:$0x0] =	wrdreg $0xFFFFFFFF;
	(pc) =	sbr.abs _section_cstart, $3  }
0xc1: {  	[dreg:$0x1] =	wrdreg $0xFFFFFFFF  }
0xc2: {  	_ =	task.clear_ibuf [dreg:s8], $0x2FFFF;
	_ =	strace $0x9FFFFFFF  }
0xc3: {  	(tm) =	ssettm $0x7FFFFFFF  }
tec
execute0_lowered:
.L_overlay_start_1:
0x0: {  	(tag) =	ssettag $0x1  }
0x1: {  	s0 =	srdreg.scid  }
0x2: {  	s2 =	stileid.u32;
	s1 =	sand.u32 $0x1, s0  }
0x3: {  	s0 =	sor.u32 s1, s2  }
0x4: {  	p1 =	seq.s32 s1, $0x1;
	p0 =	seq.s32 s0, $0x0  }
0x5: {  	p0 =	por !p0, !p1  }
0x6: {  	s0 =	simm.s32 $0x1;
	p0 =	por !p0, !p0  }
0x7: {  	s0 =	simm.s32 @!p0 $0x0  }
0x8: {  	s0 =	ssub.s32 s2, s0  }
0x9: {  	s3 =	sshll.u32 s1, $0x13;
	s0 =	sshll.u32 s0, $0x14  }
0xa: {  	s30 =	rddreg [dreg:$0x0];
	s2 =	simm.s32 $0x0;
	s0 =	sor.u32 s3, s0  }
0xb: {  	[smem:$0x7FF] =	sst s2;
	s0 =	sshrl.u32 s0, $0x3  }
0xc: {  	s31 =	rddreg [dreg:$0x1];
	_ =	strace $0x80000047;
	s11 =	sadd.s32 s30, s0  }
0xd: {  	s12 =	sadd.s32 s31, s0;
	s4 =	sor.u32 $0x1000, s0;
	[dreg:$0x3] =	wrdreg s11  }
0xe: {  	[dreg:$0x4] =	wrdreg s12;
	s13 =	sadd.s32 s30, s4  }
0xf: {  	s15 =	sor.u32 $0x2000, s0;
	s14 =	sadd.s32 s31, s4;
	[dreg:$0x5] =	wrdreg s13  }
0x10: {  	s16 =	sadd.s32 s30, s15;
	[dreg:$0x6] =	wrdreg s14  }
0x11: {  	s18 =	sor.u32 $0x3000, s0;
	s17 =	sadd.s32 s31, s15;
	[dreg:$0x7] =	wrdreg s16  }
0x12: {  	s19 =	sadd.s32 s30, s18;
	[dreg:$0x8] =	wrdreg s17  }
0x13: {  	[dreg:$0x9] =	wrdreg s19  }
0x14: {  	s8 =	sor.u32 $0x4000, s0;
	s20 =	sadd.s32 s31, s18;
	s21 =	rddreg [dreg:$0x3]  }
0x15: {  	s5 =	sadd.s32 s30, s8;
	[dreg:$0xa] =	wrdreg s20  }
0x16: {  	s3 =	simm.s32 $0x1;
	[dreg:$0xb] =	wrdreg s5  }
0x17: {  	[tilespmem:s2], [sflag:$0x1] =	stream.linear.gather [hbm4b:s21+s2], $0x8000, $0x38;
	[tilespmem:$0x10000] =	vst v63  }
0x18: {  	_ =	swait.ge [sflag:s3], $0x8000  }
0x19: {  	[sflag:s3] =	ssyncset.done $0x0  }
0x1a: {  	s22 =	rddreg [dreg:$0x4];
	[sflag:s3] =	ssyncadd.s32 $0xFFFF8000  }
0x1b: {  	[hbm4b:s22+s2] =	stream.linear.scatter [tilespmem:s2], [sflag:$0x3], $0x8000, $0x38;
	[tilespmem:$0x10000] =	vst v63  }
0x1c: {  	s4 =	simm.s32 $0x8000;
	s5 =	simm.s32 $0x2;
	s6 =	rddreg [dreg:$0x5]  }
0x1d: {  	[tilespmem:s4], [sflag:$0x2] =	stream.linear.gather [hbm4b:s6+s2], $0x8000, $0x38;
	[tilespmem:$0x10000] =	vst v63  }
0x1e: {  	_ =	swait.ge [sflag:s5], $0x8000  }
0x1f: {  	[sflag:s5] =	ssyncset.done $0x0  }
0x20: {  	s6 =	simm.s32 $0x3;
	s7 =	rddreg [dreg:$0x6];
	[sflag:s5] =	ssyncadd.s32 $0xFFFF8000  }
0x21: {  	[hbm4b:s7+s2] =	stream.linear.scatter [tilespmem:s4], [sflag:$0x4], $0x8000, $0x38;
	[tilespmem:$0x10000] =	vst v63  }
0x22: {  	_ =	swait.ge [sflag:s6], $0x8000  }
0x23: {  	[sflag:s6] =	ssyncset.done $0x0  }
0x24: {  	s23 =	rddreg [dreg:$0x7];
	[sflag:s6] =	ssyncadd.s32 $0xFFFF8000  }
0x25: {  	[tilespmem:s2], [sflag:$0x1] =	stream.linear.gather [hbm4b:s23+s2], $0x8000, $0x38;
	[tilespmem:$0x10000] =	vst v63  }
0x26: {  	_ =	swait.ge [sflag:s3], $0x8000  }
0x27: {  	[sflag:s3] =	ssyncset.done $0x0  }
0x28: {  	s7 =	simm.s32 $0x4;
	s9 =	rddreg [dreg:$0x8];
	[sflag:s3] =	ssyncadd.s32 $0xFFFF8000  }
0x29: {  	[hbm4b:s9+s2] =	stream.linear.scatter [tilespmem:s2], [sflag:$0x3], $0x8000, $0x38;
	[tilespmem:$0x10000] =	vst v63  }
0x2a: {  	_ =	swait.ge [sflag:s7], $0x8000  }
0x2b: {  	[sflag:s7] =	ssyncset.done $0x0  }
0x2c: {  	s24 =	rddreg [dreg:$0x9];
	[sflag:s7] =	ssyncadd.s32 $0xFFFF8000  }
0x2d: {  	[tilespmem:s4], [sflag:$0x2] =	stream.linear.gather [hbm4b:s24+s2], $0x8000, $0x38;
	[tilespmem:$0x10000] =	vst v63  }
0x2e: {  	_ =	swait.ge [sflag:s5], $0x8000  }
0x2f: {  	[sflag:s5] =	ssyncset.done $0x0  }
0x30: {  	s25 =	rddreg [dreg:$0xa];
	[sflag:s5] =	ssyncadd.s32 $0xFFFF8000  }
0x31: {  	[hbm4b:s25+s2] =	stream.linear.scatter [tilespmem:s4], [sflag:$0x4], $0x8000, $0x38;
	[tilespmem:$0x10000] =	vst v63  }
0x32: {  	_ =	swait.ge [sflag:s6], $0x8000  }
0x33: {  	[sflag:s6] =	ssyncset.done $0x0  }
0x34: {  	s26 =	rddreg [dreg:$0xb];
	[sflag:s6] =	ssyncadd.s32 $0xFFFF8000  }
0x35: {  	[tilespmem:s2], [sflag:$0x1] =	stream.linear.gather [hbm4b:s26+s2], $0x8000, $0x38;
	[tilespmem:$0x10000] =	vst v63  }
0x36: {  	_ =	swait.ge [sflag:s3], $0x8000  }
0x37: {  	s8 =	sadd.s32 s31, s8;
	[sflag:s3] =	ssyncset.done $0x0  }
0x38: {  	[dreg:$0xc] =	wrdreg s8;
	[sflag:s3] =	ssyncadd.s32 $0xFFFF8000  }
0x39: {  	[hbm4b:s8+s2] =	stream.linear.scatter [tilespmem:s2], [sflag:$0x3], $0x8000, $0x38;
	[tilespmem:$0x10000] =	vst v63  }
0x3a: {  	_ =	swait.ge [sflag:s7], $0x8000  }
0x3b: {  	s10 =	sor.u32 $0x5000, s0;
	[sflag:s7] =	ssyncset.done $0x0  }
0x3c: {  	s9 =	sadd.s32 s30, s10;
	[sflag:s7] =	ssyncadd.s32 $0xFFFF8000  }
0x3d: {  	[tilespmem:s4], [sflag:$0x2] =	stream.linear.gather [hbm4b:s9+s2], $0x8000, $0x38;
	[tilespmem:$0x10000] =	vst v63  }
0x3e: {  	_ =	swait.ge [sflag:s5], $0x8000  }
0x3f: {  	[sflag:s5] =	ssyncset.done $0x0  }
0x40: {  	s10 =	sadd.s32 s31, s10;
	[sflag:s5] =	ssyncadd.s32 $0xFFFF8000  }
0x41: {  	[hbm4b:s10+s2] =	stream.linear.scatter [tilespmem:s4], [sflag:$0x4], $0x8000, $0x38;
	[tilespmem:$0x10000] =	vst v63  }
0x42: {  	_ =	swait.ge [sflag:s6], $0x8000  }
0x43: {  	s12 =	sor.u32 $0x6000, s0;
	[sflag:s6] =	ssyncset.done $0x0  }
0x44: {  	s11 =	sadd.s32 s30, s12;
	[sflag:s6] =	ssyncadd.s32 $0xFFFF8000  }
0x45: {  	[tilespmem:s2], [sflag:$0x1] =	stream.linear.gather [hbm4b:s11+s2], $0x8000, $0x38;
	[tilespmem:$0x10000] =	vst v63  }
0x46: {  	_ =	swait.ge [sflag:s3], $0x8000  }
0x47: {  	[sflag:s3] =	ssyncset.done $0x0  }
0x48: {  	s12 =	sadd.s32 s31, s12;
	[sflag:s3] =	ssyncadd.s32 $0xFFFF8000  }
0x49: {  	[hbm4b:s12+s2] =	stream.linear.scatter [tilespmem:s2], [sflag:$0x3], $0x8000, $0x38;
	[tilespmem:$0x10000] =	vst v63  }
0x4a: {  	_ =	swait.ge [sflag:s7], $0x8000  }
0x4b: {  	s14 =	sor.u32 $0x7000, s0;
	[sflag:s7] =	ssyncset.done $0x0  }
0x4c: {  	s13 =	sadd.s32 s30, s14;
	[sflag:s7] =	ssyncadd.s32 $0xFFFF8000  }
0x4d: {  	[tilespmem:s4], [sflag:$0x2] =	stream.linear.gather [hbm4b:s13+s2], $0x8000, $0x38;
	[tilespmem:$0x10000] =	vst v63  }
0x4e: {  	_ =	swait.ge [sflag:s5], $0x8000  }
0x4f: {  	[sflag:s5] =	ssyncset.done $0x0  }
0x50: {  	s14 =	sadd.s32 s31, s14;
	[sflag:s5] =	ssyncadd.s32 $0xFFFF8000  }
0x51: {  	[hbm4b:s14+s2] =	stream.linear.scatter [tilespmem:s4], [sflag:$0x4], $0x8000, $0x38;
	[tilespmem:$0x10000] =	vst v63  }
0x52: {  	_ =	swait.ge [sflag:s6], $0x8000  }
0x53: {  	s16 =	sor.u32 $0x8000, s0;
	[sflag:s6] =	ssyncset.done $0x0  }
0x54: {  	s15 =	sadd.s32 s30, s16;
	[sflag:s6] =	ssyncadd.s32 $0xFFFF8000  }
0x55: {  	[tilespmem:s2], [sflag:$0x1] =	stream.linear.gather [hbm4b:s15+s2], $0x8000, $0x38;
	[tilespmem:$0x10000] =	vst v63  }
0x56: {  	_ =	swait.ge [sflag:s3], $0x8000  }
0x57: {  	[sflag:s3] =	ssyncset.done $0x0  }
0x58: {  	s16 =	sadd.s32 s31, s16;
	[sflag:s3] =	ssyncadd.s32 $0xFFFF8000  }
0x59: {  	[hbm4b:s16+s2] =	stream.linear.scatter [tilespmem:s2], [sflag:$0x3], $0x8000, $0x38;
	[tilespmem:$0x10000] =	vst v63  }
0x5a: {  	_ =	swait.ge [sflag:s7], $0x8000  }
0x5b: {  	s18 =	sor.u32 $0x9000, s0;
	[sflag:s7] =	ssyncset.done $0x0  }
0x5c: {  	s17 =	sadd.s32 s30, s18;
	[sflag:s7] =	ssyncadd.s32 $0xFFFF8000  }
0x5d: {  	[tilespmem:s4], [sflag:$0x2] =	stream.linear.gather [hbm4b:s17+s2], $0x8000, $0x38;
	[tilespmem:$0x10000] =	vst v63  }
0x5e: {  	_ =	swait.ge [sflag:s5], $0x8000  }
0x5f: {  	[sflag:s5] =	ssyncset.done $0x0  }
0x60: {  	s18 =	sadd.s32 s31, s18;
	[sflag:s5] =	ssyncadd.s32 $0xFFFF8000  }
0x61: {  	[hbm4b:s18+s2] =	stream.linear.scatter [tilespmem:s4], [sflag:$0x4], $0x8000, $0x38;
	[tilespmem:$0x10000] =	vst v63  }
0x62: {  	_ =	swait.ge [sflag:s6], $0x8000  }
0x63: {  	s20 =	sor.u32 $0xA000, s0;
	[sflag:s6] =	ssyncset.done $0x0  }
0x64: {  	s19 =	sadd.s32 s30, s20;
	[sflag:s6] =	ssyncadd.s32 $0xFFFF8000  }
0x65: {  	[tilespmem:s2], [sflag:$0x1] =	stream.linear.gather [hbm4b:s19+s2], $0x8000, $0x38;
	[tilespmem:$0x10000] =	vst v63  }
0x66: {  	_ =	swait.ge [sflag:s3], $0x8000  }
0x67: {  	[sflag:s3] =	ssyncset.done $0x0  }
0x68: {  	s20 =	sadd.s32 s31, s20;
	[sflag:s3] =	ssyncadd.s32 $0xFFFF8000  }
0x69: {  	[hbm4b:s20+s2] =	stream.linear.scatter [tilespmem:s2], [sflag:$0x3], $0x8000, $0x38;
	[tilespmem:$0x10000] =	vst v63  }
0x6a: {  	_ =	swait.ge [sflag:s7], $0x8000  }
0x6b: {  	s22 =	sor.u32 $0xB000, s0;
	[sflag:s7] =	ssyncset.done $0x0  }
0x6c: {  	s21 =	sadd.s32 s30, s22;
	[sflag:s7] =	ssyncadd.s32 $0xFFFF8000  }
0x6d: {  	[tilespmem:s4], [sflag:$0x2] =	stream.linear.gather [hbm4b:s21+s2], $0x8000, $0x38;
	[tilespmem:$0x10000] =	vst v63  }
0x6e: {  	_ =	swait.ge [sflag:s5], $0x8000  }
0x6f: {  	[sflag:s5] =	ssyncset.done $0x0  }
0x70: {  	s22 =	sadd.s32 s31, s22;
	[sflag:s5] =	ssyncadd.s32 $0xFFFF8000  }
0x71: {  	[hbm4b:s22+s2] =	stream.linear.scatter [tilespmem:s4], [sflag:$0x4], $0x8000, $0x38;
	[tilespmem:$0x10000] =	vst v63  }
0x72: {  	_ =	swait.ge [sflag:s6], $0x8000  }
0x73: {  	s24 =	sor.u32 $0xC000, s0;
	[sflag:s6] =	ssyncset.done $0x0  }
0x74: {  	s23 =	sadd.s32 s30, s24;
	[sflag:s6] =	ssyncadd.s32 $0xFFFF8000  }
0x75: {  	[tilespmem:s2], [sflag:$0x1] =	stream.linear.gather [hbm4b:s23+s2], $0x8000, $0x38;
	[tilespmem:$0x10000] =	vst v63  }
0x76: {  	_ =	swait.ge [sflag:s3], $0x8000  }
0x77: {  	[sflag:s3] =	ssyncset.done $0x0  }
0x78: {  	s24 =	sadd.s32 s31, s24;
	[sflag:s3] =	ssyncadd.s32 $0xFFFF8000  }
0x79: {  	[hbm4b:s24+s2] =	stream.linear.scatter [tilespmem:s2], [sflag:$0x3], $0x8000, $0x38;
	[tilespmem:$0x10000] =	vst v63  }
0x7a: {  	_ =	swait.ge [sflag:s7], $0x8000  }
0x7b: {  	s26 =	sor.u32 $0xD000, s0;
	[sflag:s7] =	ssyncset.done $0x0  }
0x7c: {  	s25 =	sadd.s32 s30, s26;
	[sflag:s7] =	ssyncadd.s32 $0xFFFF8000  }
0x7d: {  	[tilespmem:s4], [sflag:$0x2] =	stream.linear.gather [hbm4b:s25+s2], $0x8000, $0x38;
	[tilespmem:$0x10000] =	vst v63  }
0x7e: {  	_ =	swait.ge [sflag:s5], $0x8000  }
0x7f: {  	[sflag:s5] =	ssyncset.done $0x0  }
0x80: {  	s26 =	sadd.s32 s31, s26;
	[sflag:s5] =	ssyncadd.s32 $0xFFFF8000  }
0x81: {  	[hbm4b:s26+s2] =	stream.linear.scatter [tilespmem:s4], [sflag:$0x4], $0x8000, $0x38;
	[tilespmem:$0x10000] =	vst v63  }
0x82: {  	_ =	swait.ge [sflag:s6], $0x8000  }
0x83: {  	s29 =	sor.u32 $0xE000, s0;
	[sflag:s6] =	ssyncset.done $0x0  }
0x84: {  	s28 =	sadd.s32 s30, s29;
	[sflag:s6] =	ssyncadd.s32 $0xFFFF8000  }
0x85: {  	[tilespmem:s2], [sflag:$0x1] =	stream.linear.gather [hbm4b:s28+s2], $0x8000, $0x38;
	[tilespmem:$0x10000] =	vst v63  }
0x86: {  	_ =	swait.ge [sflag:s3], $0x8000  }
0x87: {  	[sflag:s3] =	ssyncset.done $0x0  }
0x88: {  	s29 =	sadd.s32 s31, s29;
	[sflag:s3] =	ssyncadd.s32 $0xFFFF8000  }
0x89: {  	[hbm4b:s29+s2] =	stream.linear.scatter [tilespmem:s2], [sflag:$0x3], $0x8000, $0x38;
	[tilespmem:$0x10000] =	vst v63  }
0x8a: {  	_ =	swait.ge [sflag:s7], $0x8000  }
0x8b: {  	s0 =	sor.u32 $0xF000, s0;
	s8 =	ssub.s32 $0x2, s1;
	[sflag:s7] =	ssyncset.done $0x0  }
0x8c: {  	s30 =	sadd.s32 s30, s0;
	s1 =	sshrl.u32 s8, $0x1;
	[sflag:s7] =	ssyncadd.s32 $0xFFFF8000  }
0x8d: {  	[tilespmem:s4], [sflag:$0x2] =	stream.linear.gather [hbm4b:s30+s2], $0x8000, $0x38;
	[tilespmem:$0x10000] =	vst v63  }
0x8e: {  	s31 =	sadd.s32 s31, s0;
	s0 =	ssub.s32 s8, s1;
	_ =	swait.ge [sflag:s5], $0x8000  }
0x8f: {  	s0 =	smax.u32 s0, $0x1;
	[sflag:s5] =	ssyncset.done $0x0  }
0x90: {  	p0 =	sne.s32 s0, $0x1;
	[sflag:s5] =	ssyncadd.s32 $0xFFFF8000  }
0x91: {  	[hbm4b:s31+s2] =	stream.linear.scatter [tilespmem:s4], [sflag:$0x4], $0x8000, $0x38;
	[tilespmem:$0x10000] =	vst v63  }
.Ltmp0:
0x92: {  	_ =	swait.ge [sflag:s6], $0x8000;
	(pc) =	sbr.rel @!p0 .LBB2_2-.Ltmp0, $4  }
0x93: {  	[sflag:s6] =	ssyncset.done $0x0  }
0x94: {  	[sflag:s6] =	ssyncadd.s32 $0xFFFF8000  }
0x95: {  	_ =	swait.ge [sflag:s7], $0x8000  }
0x96: {  	s1 =	sadd.s32 $0xFFFFFFFF, s0;
	[sflag:s7] =	ssyncset.done $0x0  }
.LBB2_1:
0x97: {  	s0 =	rddreg [dreg:$0x3];
	[sflag:s7] =	ssyncadd.s32 $0xFFFF8000  }
0x98: {  	[tilespmem:s2], [sflag:$0x1] =	stream.linear.gather [hbm4b:s0+s2], $0x8000, $0x38;
	[tilespmem:$0x10000] =	vst v63  }
0x99: {  	_ =	swait.ge [sflag:s3], $0x8000  }
0x9a: {  	[sflag:s3] =	ssyncset.done $0x0  }
0x9b: {  	s0 =	rddreg [dreg:$0x4];
	[sflag:s3] =	ssyncadd.s32 $0xFFFF8000  }
0x9c: {  	[hbm4b:s0+s2] =	stream.linear.scatter [tilespmem:s2], [sflag:$0x3], $0x8000, $0x38;
	[tilespmem:$0x10000] =	vst v63  }
0x9d: {  	s8 =	rddreg [dreg:$0x5]  }
0x9e: {  	[tilespmem:s4], [sflag:$0x2] =	stream.linear.gather [hbm4b:s8+s2], $0x8000, $0x38;
	[tilespmem:$0x10000] =	vst v63  }
0x9f: {  	_ =	swait.ge [sflag:s5], $0x8000  }
0xa0: {  	[sflag:s5] =	ssyncset.done $0x0  }
0xa1: {  	s8 =	rddreg [dreg:$0x6];
	[sflag:s5] =	ssyncadd.s32 $0xFFFF8000  }
0xa2: {  	[hbm4b:s8+s2] =	stream.linear.scatter [tilespmem:s4], [sflag:$0x4], $0x8000, $0x38;
	[tilespmem:$0x10000] =	vst v63  }
0xa3: {  	_ =	swait.ge [sflag:s6], $0x8000  }
0xa4: {  	[sflag:s6] =	ssyncset.done $0x0  }
0xa5: {  	s8 =	rddreg [dreg:$0x7];
	[sflag:s6] =	ssyncadd.s32 $0xFFFF8000  }
0xa6: {  	[tilespmem:s2], [sflag:$0x1] =	stream.linear.gather [hbm4b:s8+s2], $0x8000, $0x38;
	[tilespmem:$0x10000] =	vst v63  }
0xa7: {  	_ =	swait.ge [sflag:s3], $0x8000  }
0xa8: {  	[sflag:s3] =	ssyncset.done $0x0  }
0xa9: {  	s8 =	rddreg [dreg:$0x8];
	[sflag:s3] =	ssyncadd.s32 $0xFFFF8000  }
0xaa: {  	[hbm4b:s8+s2] =	stream.linear.scatter [tilespmem:s2], [sflag:$0x3], $0x8000, $0x38;
	[tilespmem:$0x10000] =	vst v63  }
0xab: {  	_ =	swait.ge [sflag:s7], $0x8000  }
0xac: {  	[sflag:s7] =	ssyncset.done $0x0  }
0xad: {  	s8 =	rddreg [dreg:$0x9];
	[sflag:s7] =	ssyncadd.s32 $0xFFFF8000  }
0xae: {  	[tilespmem:s4], [sflag:$0x2] =	stream.linear.gather [hbm4b:s8+s2], $0x8000, $0x38;
	[tilespmem:$0x10000] =	vst v63  }
0xaf: {  	_ =	swait.ge [sflag:s5], $0x8000  }
0xb0: {  	[sflag:s5] =	ssyncset.done $0x0  }
0xb1: {  	s8 =	rddreg [dreg:$0xa];
	[sflag:s5] =	ssyncadd.s32 $0xFFFF8000  }
0xb2: {  	[hbm4b:s8+s2] =	stream.linear.scatter [tilespmem:s4], [sflag:$0x4], $0x8000, $0x38;
	[tilespmem:$0x10000] =	vst v63  }
0xb3: {  	_ =	swait.ge [sflag:s6], $0x8000  }
0xb4: {  	[sflag:s6] =	ssyncset.done $0x0  }
0xb5: {  	s8 =	rddreg [dreg:$0xb];
	[sflag:s6] =	ssyncadd.s32 $0xFFFF8000  }
0xb6: {  	[tilespmem:s2], [sflag:$0x1] =	stream.linear.gather [hbm4b:s8+s2], $0x8000, $0x38;
	[tilespmem:$0x10000] =	vst v63  }
0xb7: {  	_ =	swait.ge [sflag:s3], $0x8000  }
0xb8: {  	[sflag:s3] =	ssyncset.done $0x0  }
0xb9: {  	s8 =	rddreg [dreg:$0xc];
	[sflag:s3] =	ssyncadd.s32 $0xFFFF8000  }
0xba: {  	[hbm4b:s8+s2] =	stream.linear.scatter [tilespmem:s2], [sflag:$0x3], $0x8000, $0x38;
	[tilespmem:$0x10000] =	vst v63  }
0xbb: {  	_ =	swait.ge [sflag:s7], $0x8000  }
0xbc: {  	[sflag:s7] =	ssyncset.done $0x0  }
0xbd: {  	[sflag:s7] =	ssyncadd.s32 $0xFFFF8000  }
0xbe: {  	[tilespmem:s4], [sflag:$0x2] =	stream.linear.gather [hbm4b:s9+s2], $0x8000, $0x38;
	[tilespmem:$0x10000] =	vst v63  }
0xbf: {  	_ =	swait.ge [sflag:s5], $0x8000  }
0xc0: {  	[sflag:s5] =	ssyncset.done $0x0  }
0xc1: {  	[sflag:s5] =	ssyncadd.s32 $0xFFFF8000  }
0xc2: {  	[hbm4b:s10+s2] =	stream.linear.scatter [tilespmem:s4], [sflag:$0x4], $0x8000, $0x38;
	[tilespmem:$0x10000] =	vst v63  }
0xc3: {  	_ =	swait.ge [sflag:s6], $0x8000  }
0xc4: {  	[sflag:s6] =	ssyncset.done $0x0  }
0xc5: {  	[sflag:s6] =	ssyncadd.s32 $0xFFFF8000  }
0xc6: {  	[tilespmem:s2], [sflag:$0x1] =	stream.linear.gather [hbm4b:s11+s2], $0x8000, $0x38;
	[tilespmem:$0x10000] =	vst v63  }
0xc7: {  	_ =	swait.ge [sflag:s3], $0x8000  }
0xc8: {  	[sflag:s3] =	ssyncset.done $0x0  }
0xc9: {  	[sflag:s3] =	ssyncadd.s32 $0xFFFF8000  }
0xca: {  	[hbm4b:s12+s2] =	stream.linear.scatter [tilespmem:s2], [sflag:$0x3], $0x8000, $0x38;
	[tilespmem:$0x10000] =	vst v63  }
0xcb: {  	_ =	swait.ge [sflag:s7], $0x8000  }
0xcc: {  	[sflag:s7] =	ssyncset.done $0x0  }
0xcd: {  	[sflag:s7] =	ssyncadd.s32 $0xFFFF8000  }
0xce: {  	[tilespmem:s4], [sflag:$0x2] =	stream.linear.gather [hbm4b:s13+s2], $0x8000, $0x38;
	[tilespmem:$0x10000] =	vst v63  }
0xcf: {  	_ =	swait.ge [sflag:s5], $0x8000  }
0xd0: {  	[sflag:s5] =	ssyncset.done $0x0  }
0xd1: {  	[sflag:s5] =	ssyncadd.s32 $0xFFFF8000  }
0xd2: {  	[hbm4b:s14+s2] =	stream.linear.scatter [tilespmem:s4], [sflag:$0x4], $0x8000, $0x38;
	[tilespmem:$0x10000] =	vst v63  }
0xd3: {  	_ =	swait.ge [sflag:s6], $0x8000  }
0xd4: {  	[sflag:s6] =	ssyncset.done $0x0  }
0xd5: {  	[sflag:s6] =	ssyncadd.s32 $0xFFFF8000  }
0xd6: {  	[tilespmem:s2], [sflag:$0x1] =	stream.linear.gather [hbm4b:s15+s2], $0x8000, $0x38;
	[tilespmem:$0x10000] =	vst v63  }
0xd7: {  	_ =	swait.ge [sflag:s3], $0x8000  }
0xd8: {  	[sflag:s3] =	ssyncset.done $0x0  }
0xd9: {  	[sflag:s3] =	ssyncadd.s32 $0xFFFF8000  }
0xda: {  	[hbm4b:s16+s2] =	stream.linear.scatter [tilespmem:s2], [sflag:$0x3], $0x8000, $0x38;
	[tilespmem:$0x10000] =	vst v63  }
0xdb: {  	_ =	swait.ge [sflag:s7], $0x8000  }
0xdc: {  	[sflag:s7] =	ssyncset.done $0x0  }
0xdd: {  	[sflag:s7] =	ssyncadd.s32 $0xFFFF8000  }
0xde: {  	[tilespmem:s4], [sflag:$0x2] =	stream.linear.gather [hbm4b:s17+s2], $0x8000, $0x38;
	[tilespmem:$0x10000] =	vst v63  }
0xdf: {  	_ =	swait.ge [sflag:s5], $0x8000  }
0xe0: {  	[sflag:s5] =	ssyncset.done $0x0  }
0xe1: {  	[sflag:s5] =	ssyncadd.s32 $0xFFFF8000  }
0xe2: {  	[hbm4b:s18+s2] =	stream.linear.scatter [tilespmem:s4], [sflag:$0x4], $0x8000, $0x38;
	[tilespmem:$0x10000] =	vst v63  }
0xe3: {  	_ =	swait.ge [sflag:s6], $0x8000  }
0xe4: {  	[sflag:s6] =	ssyncset.done $0x0  }
0xe5: {  	[sflag:s6] =	ssyncadd.s32 $0xFFFF8000  }
0xe6: {  	[tilespmem:s2], [sflag:$0x1] =	stream.linear.gather [hbm4b:s19+s2], $0x8000, $0x38;
	[tilespmem:$0x10000] =	vst v63  }
0xe7: {  	_ =	swait.ge [sflag:s3], $0x8000  }
0xe8: {  	[sflag:s3] =	ssyncset.done $0x0  }
0xe9: {  	[sflag:s3] =	ssyncadd.s32 $0xFFFF8000  }
0xea: {  	[hbm4b:s20+s2] =	stream.linear.scatter [tilespmem:s2], [sflag:$0x3], $0x8000, $0x38;
	[tilespmem:$0x10000] =	vst v63  }
0xeb: {  	_ =	swait.ge [sflag:s7], $0x8000  }
0xec: {  	[sflag:s7] =	ssyncset.done $0x0  }
0xed: {  	[sflag:s7] =	ssyncadd.s32 $0xFFFF8000  }
0xee: {  	[tilespmem:s4], [sflag:$0x2] =	stream.linear.gather [hbm4b:s21+s2], $0x8000, $0x38;
	[tilespmem:$0x10000] =	vst v63  }
0xef: {  	_ =	swait.ge [sflag:s5], $0x8000  }
0xf0: {  	[sflag:s5] =	ssyncset.done $0x0  }
0xf1: {  	[sflag:s5] =	ssyncadd.s32 $0xFFFF8000  }
0xf2: {  	[hbm4b:s22+s2] =	stream.linear.scatter [tilespmem:s4], [sflag:$0x4], $0x8000, $0x38;
	[tilespmem:$0x10000] =	vst v63  }
0xf3: {  	_ =	swait.ge [sflag:s6], $0x8000  }
0xf4: {  	[sflag:s6] =	ssyncset.done $0x0  }
0xf5: {  	[sflag:s6] =	ssyncadd.s32 $0xFFFF8000  }
0xf6: {  	[tilespmem:s2], [sflag:$0x1] =	stream.linear.gather [hbm4b:s23+s2], $0x8000, $0x38;
	[tilespmem:$0x10000] =	vst v63  }
0xf7: {  	_ =	swait.ge [sflag:s3], $0x8000  }
0xf8: {  	[sflag:s3] =	ssyncset.done $0x0  }
0xf9: {  	[sflag:s3] =	ssyncadd.s32 $0xFFFF8000  }
0xfa: {  	[hbm4b:s24+s2] =	stream.linear.scatter [tilespmem:s2], [sflag:$0x3], $0x8000, $0x38;
	[tilespmem:$0x10000] =	vst v63  }
0xfb: {  	_ =	swait.ge [sflag:s7], $0x8000  }
0xfc: {  	[sflag:s7] =	ssyncset.done $0x0  }
0xfd: {  	[sflag:s7] =	ssyncadd.s32 $0xFFFF8000  }
0xfe: {  	[tilespmem:s4], [sflag:$0x2] =	stream.linear.gather [hbm4b:s25+s2], $0x8000, $0x38;
	[tilespmem:$0x10000] =	vst v63  }
0xff: {  	_ =	swait.ge [sflag:s5], $0x8000  }
0x100: {  	[sflag:s5] =	ssyncset.done $0x0  }
0x101: {  	[sflag:s5] =	ssyncadd.s32 $0xFFFF8000  }
0x102: {  	[hbm4b:s26+s2] =	stream.linear.scatter [tilespmem:s4], [sflag:$0x4], $0x8000, $0x38;
	[tilespmem:$0x10000] =	vst v63  }
0x103: {  	_ =	swait.ge [sflag:s6], $0x8000  }
0x104: {  	[sflag:s6] =	ssyncset.done $0x0  }
0x105: {  	[sflag:s6] =	ssyncadd.s32 $0xFFFF8000  }
0x106: {  	[tilespmem:s2], [sflag:$0x1] =	stream.linear.gather [hbm4b:s28+s2], $0x8000, $0x38;
	[tilespmem:$0x10000] =	vst v63  }
0x107: {  	_ =	swait.ge [sflag:s3], $0x8000  }
0x108: {  	[sflag:s3] =	ssyncset.done $0x0  }
0x109: {  	[sflag:s3] =	ssyncadd.s32 $0xFFFF8000  }
0x10a: {  	[hbm4b:s29+s2] =	stream.linear.scatter [tilespmem:s2], [sflag:$0x3], $0x8000, $0x38;
	[tilespmem:$0x10000] =	vst v63  }
0x10b: {  	_ =	swait.ge [sflag:s7], $0x8000  }
0x10c: {  	[sflag:s7] =	ssyncset.done $0x0  }
0x10d: {  	[sflag:s7] =	ssyncadd.s32 $0xFFFF8000  }
0x10e: {  	[tilespmem:s4], [sflag:$0x2] =	stream.linear.gather [hbm4b:s30+s2], $0x8000, $0x38;
	[tilespmem:$0x10000] =	vst v63  }
0x10f: {  	_ =	swait.ge [sflag:s5], $0x8000  }
0x110: {  	[sflag:s5] =	ssyncset.done $0x0  }
0x111: {  	p0 =	sne.s32 s1, $0x1;
	[sflag:s5] =	ssyncadd.s32 $0xFFFF8000  }
0x112: {  	[hbm4b:s31+s2] =	stream.linear.scatter [tilespmem:s4], [sflag:$0x4], $0x8000, $0x38;
	[tilespmem:$0x10000] =	vst v63  }
.Ltmp1:
0x113: {  	_ =	swait.ge [sflag:s6], $0x8000;
	(pc) =	sbr.rel @p0 .LBB2_1-.Ltmp1, $4  }
0x114: {  	[sflag:s6] =	ssyncset.done $0x0  }
0x115: {  	[sflag:s6] =	ssyncadd.s32 $0xFFFF8000  }
0x116: {  	_ =	swait.ge [sflag:s7], $0x8000  }
0x117: {  	s1 =	sadd.s32 $0xFFFFFFFF, s1;
	[sflag:s7] =	ssyncset.done $0x0  }
.LBB2_2:
0x118: {  	[sflag:s7] =	ssyncadd.s32 $0xFFFF8000  }
0x119: {  	_ =	sfence.sel $0x180000  }
0x11a: {  	[bflag:$0x0] =	sbarrier.arrive $0xFFFF  }
0x11b: {  	_ =	strace $0x90000047  }
0x11c: {  	s0 =	stileid.u32;
	[bflag:$0x2] =	sbarrier.arrive $0xFFFF  }
0x11d: {  	p0 =	sne.s32 s0, $0x0;
	s0 =	rddreg [dreg:$0x2]  }
0x11e: {  	s0 =	sadd.s32 @!p0 $0x100000, s0  }
0x11f: {  	[sflag:s0] =	ssyncadd.tile.s32 @!p0 $0x1;
	_ =	shalt  }
.Lfunc_end2:
_tile_overlayer_lowered:
.L_overlay_start_2:
0x120: {  	(tag) =	ssettag $0x2  }
0x121: {  	s0 =	rddreg [dreg:$0x0];
	s2 =	stileid.u32  }
0x122: {  	s1 =	rddreg [dreg:$0x1];
	p0 =	sne.s32 s2, $0x0  }
0x123: {  	s3 =	rddreg [dreg:$0x2];
	[bflag:$0x3] =	sbarrier.arrive $0xFFFF;
	s2 =	simm.s32 @!p0 $0x1C05  }
0x124: {  	[timem:s3], [sflag:s2] =	dma.local @!p0 [hbm:s0], s1  }
0x125: {  	s0 =	simm.s32 @!p0 $0x5  }
0x126: {  	_ =	swait.ge @!p0 [sflag:s0], s1  }
0x127: {  	s1 =	ssub.s32 @!p0 $0x0, s1;
	[sflag:s0] =	ssyncset.done @!p0 $0x0  }
0x128: {  	[sflag:s0] =	ssyncadd.s32 @!p0 s1  }
0x129: {  	[bflag:$0x3] =	sbarrier.arrive $0xFFFF  }
0x12a: {  	_ =	shalt  }

</sc_bundles>
